<compile_context>
chip_gen: v7x
topology: tpu7x:2x2x1
jax: 0.10.2.dev20260603
libtpu: 0.0.44.dev20260713+nightly
codegen_flags: <defaults>
</compile_context>

<pallas_src>
import jax
import jax.numpy as jnp
from jax import lax
from jax.experimental import pallas as pl
from jax.experimental.pallas import tpu as pltpu
from jax.experimental.pallas import tpu_sc as plsc

B = 16384
K = 64
N = 1000000
BN = 16384
NW = 32
BPW = B // NW
NCH = 4
CH = BPW // NCH
L = 16


def _scores_body(ut_ref, it_ref, wu_ref, wi_ref, su_ref, si_ref):
    su_ref[...] = jnp.sum(ut_ref[...] * wu_ref[...], axis=0)
    si_ref[...] = jnp.sum(it_ref[...] * wi_ref[...], axis=0)


_scores_call = pl.pallas_call(
    _scores_body,
    grid=(pl.cdiv(N, BN),),
    in_specs=[
        pl.BlockSpec((K, BN), lambda n: (0, n)),
        pl.BlockSpec((K, BN), lambda n: (0, n)),
        pl.BlockSpec((K, 1), lambda n: (0, 0)),
        pl.BlockSpec((K, 1), lambda n: (0, 0)),
    ],
    out_specs=[
        pl.BlockSpec((BN,), lambda n: (n,)),
        pl.BlockSpec((BN,), lambda n: (n,)),
    ],
    out_shape=[
        jax.ShapeDtypeStruct((N,), jnp.float32),
        jax.ShapeDtypeStruct((N,), jnp.float32),
    ],
)


def _gather_body(x_hbm, su_hbm, si_hbm, bias_hbm, out_hbm,
                 x_v, uidx_v, iidx_v, sv_v, bias_v, out_v, sem_u, sem_i):
    c = lax.axis_index("c")
    s = lax.axis_index("s")
    wid = s * 2 + c
    base = wid * BPW

    pltpu.sync_copy(bias_hbm, bias_v)
    pltpu.sync_copy(x_hbm.at[pl.ds(2 * base, 2 * BPW)], x_v)

    def deint(g, carry):
        jl2 = 2 * (g * L + lax.iota(jnp.int32, L))
        u = plsc.load_gather(x_v, [jl2])
        i = plsc.load_gather(x_v, [jl2 + 1])
        ch = g // (CH // L)
        off = (g % (CH // L)) * L
        uidx_v[ch, pl.ds(off, L)] = u
        iidx_v[ch, pl.ds(off, L)] = i
        return carry

    lax.fori_loop(0, BPW // L, deint, 0)

    copies = []
    for ci in range(NCH):
        copies.append(pltpu.async_copy(
            su_hbm.at[uidx_v.at[ci]],
            sv_v.at[pl.ds(ci * CH, CH)], sem_u))
        copies.append(pltpu.async_copy(
            si_hbm.at[iidx_v.at[ci]],
            sv_v.at[pl.ds(BPW + ci * CH, CH)], sem_i))
    for cp in copies:
        cp.wait()

    bias = bias_v[pl.ds(0, L)]
    for q in range(BPW // L):
        z = sv_v[pl.ds(q * L, L)] + sv_v[pl.ds(BPW + q * L, L)] + bias
        out_v[pl.ds(q * L, L)] = 1.0 / (1.0 + jnp.exp(-z))
    pltpu.sync_copy(out_v, out_hbm.at[pl.ds(base, BPW)])


_mesh = plsc.VectorSubcoreMesh(
    core_axis_name="c", subcore_axis_name="s", num_cores=2, num_subcores=16)

_gather_call = pl.kernel(
    _gather_body,
    out_type=jax.ShapeDtypeStruct((B,), jnp.float32),
    mesh=_mesh,
    compiler_params=pltpu.CompilerParams(
        needs_layout_passes=False, use_tc_tiling_on_sc=False),
    scratch_types=[
        pltpu.VMEM((2 * BPW,), jnp.int32),
        pltpu.VMEM((NCH, CH), jnp.int32),
        pltpu.VMEM((NCH, CH), jnp.int32),
        pltpu.VMEM((2 * BPW,), jnp.float32),
        pltpu.VMEM((L,), jnp.float32),
        pltpu.VMEM((BPW,), jnp.float32),
        pltpu.SemaphoreType.DMA,
        pltpu.SemaphoreType.DMA,
    ],
)


@jax.jit
def kernel(x, user_table, item_table, W, b):
    wu = W[:K]
    wi = W[K:]
    su, si = _scores_call(user_table.T, item_table.T, wu, wi)
    bias_t = jnp.tile(b, (L,))
    return _gather_call(x.reshape(-1), su, si, bias_t)

# --- scband reference (transcript-rebuilt; emitter-appended) ---
"""Pipeline reference for scband-logistic-regression-24309514896063 (READ-ONLY COPY).

The authoritative reference and input builder live on the scoring server;
editing this copy changes nothing except your own understanding.
"""

import jax, jax.numpy as jnp
import numpy as np

NUM_USERS = 1000000
NUM_ITEMS = 1000000
EMB_K = 64
BATCH = 16384

def setup_inputs(seed: int = 0) -> dict:
    key = jax.random.key(seed)
    k_x, k_u, k_i, k_w, k_b = jax.random.split(key, 5)
    x = jax.random.randint(k_x, (BATCH, 2), 0, NUM_USERS, dtype=jnp.int64) if jax.config.jax_enable_x64 else jax.random.randint(k_x, (BATCH, 2), 0, NUM_USERS, dtype=jnp.int32)
    user_table = jax.random.normal(k_u, (NUM_USERS, EMB_K), dtype=jnp.float32)
    item_table = jax.random.normal(k_i, (NUM_ITEMS, EMB_K), dtype=jnp.float32)
    # torch Linear(2*EMB_K, 1): weight [1, 2K], bias [1]; store W as [2K, 1]
    bound = 1.0 / np.sqrt(2 * EMB_K)
    W = jax.random.uniform(k_w, (2 * EMB_K, 1), minval=-bound, maxval=bound, dtype=jnp.float32)
    b = jax.random.uniform(k_b, (1,), minval=-bound, maxval=bound, dtype=jnp.float32)
    return {"x": x, "user_table": user_table, "item_table": item_table, "W": W, "b": b}

def reference(x, user_table, item_table, W, b):
    user_emb = jnp.take(user_table, x[:, 0], axis=0)
    item_emb = jnp.take(item_table, x[:, 1], axis=0)
    z_emb = jnp.concatenate([user_emb, item_emb], axis=1)
    out = jax.nn.sigmoid(z_emb @ W + b)
    return jnp.squeeze(out)

if __name__ == "__main__":
    import jax
    _d = setup_inputs()
    print(jax.jit(kernel)(*tuple(_d.values())))

</pallas_src>

<mosaic_0001>
#map = affine_map<(d0, d1) -> (0)>
module attributes {stable_mosaic.version = 14 : i64} {
  func.func @_gather_body(%arg0: i32, %arg1: i32, %arg2: memref<32768xi32, #tpu.memory_space<hbm>>, %arg3: memref<1000000xf32, #tpu.memory_space<hbm>>, %arg4: memref<1000000xf32, #tpu.memory_space<hbm>>, %arg5: memref<16xf32, #tpu.memory_space<hbm>>, %arg6: memref<16384xf32, #tpu.memory_space<hbm>>, %arg7: memref<1024xi32, #tpu.memory_space<vmem>>, %arg8: memref<4x128xi32, #tpu.memory_space<vmem>>, %arg9: memref<4x128xi32, #tpu.memory_space<vmem>>, %arg10: memref<1024xf32, #tpu.memory_space<vmem>>, %arg11: memref<16xf32, #tpu.memory_space<vmem>>, %arg12: memref<512xf32, #tpu.memory_space<vmem>>, %arg13: memref<!tpu.dma_semaphore, #tpu.memory_space<semaphore_mem>>, %arg14: memref<!tpu.dma_semaphore, #tpu.memory_space<semaphore_mem>>) attributes {dimension_semantics = [#tpu.dimension_semantics<core_parallel>, #tpu.dimension_semantics<subcore_parallel>], iteration_bounds = array<i64: 2, 16>, scalar_prefetch = 0 : i64, scratch_operands = 8 : i64, tpu.core_type = #tpu.core_type<sc_vector_subcore>, window_params = [{transform_indices = #map}, {transform_indices = #map}, {transform_indices = #map}, {transform_indices = #map}, {transform_indices = #map}]} {
    %mul3A = arith.constant 2 : i32
    %mul3A_0 = arith.muli %arg1, %mul3A : i32
    %add3A = arith.addi %mul3A_0, %arg0 : i32
    %mul3A_1 = arith.constant 512 : i32
    %mul3A_2 = arith.muli %add3A, %mul3A_1 : i32
    "tpu.region"() ({
      %run_scoped3A = tpu.sem_alloc : memref<!tpu.dma_semaphore, #tpu.memory_space<semaphore_mem>>
      tpu.enqueue_dma source(%arg5 : memref<16xf32, #tpu.memory_space<hbm>>) target(%arg11 : memref<16xf32, #tpu.memory_space<vmem>>) target_semaphore(%run_scoped3A : memref<!tpu.dma_semaphore, #tpu.memory_space<semaphore_mem>>)
      tpu.wait_dma2 semaphore(%run_scoped3A : memref<!tpu.dma_semaphore, #tpu.memory_space<semaphore_mem>>) src(%arg5 : memref<16xf32, #tpu.memory_space<hbm>>) dst(%arg11 : memref<16xf32, #tpu.memory_space<vmem>>)
      tpu.yield
    }) : () -> ()
    %mul3A_3 = arith.constant 2 : i32
    %mul3A_4 = arith.muli %mul3A_3, %mul3A_2 : i32
    "tpu.region"() ({
      %run_scoped3A = tpu.sem_alloc : memref<!tpu.dma_semaphore, #tpu.memory_space<semaphore_mem>>
      %dma_start3A_709 = tpu.memref_slice %arg2[%mul3A_4] : memref<32768xi32, #tpu.memory_space<hbm>> -> memref<1024xi32, #tpu.memory_space<hbm>>
      %dma_start3A_710 = tpu.memref_slice %arg2[%mul3A_4] : memref<32768xi32, #tpu.memory_space<hbm>> -> memref<1024xi32, #tpu.memory_space<hbm>>
      tpu.enqueue_dma source(%dma_start3A_710 : memref<1024xi32, #tpu.memory_space<hbm>>) target(%arg7 : memref<1024xi32, #tpu.memory_space<vmem>>) target_semaphore(%run_scoped3A : memref<!tpu.dma_semaphore, #tpu.memory_space<semaphore_mem>>)
      %dma_wait3A_711 = tpu.memref_slice %arg2[%mul3A_4] : memref<32768xi32, #tpu.memory_space<hbm>> -> memref<1024xi32, #tpu.memory_space<hbm>>
      %dma_wait3A_712 = tpu.memref_slice %arg2[%mul3A_4] : memref<32768xi32, #tpu.memory_space<hbm>> -> memref<1024xi32, #tpu.memory_space<hbm>>
      tpu.wait_dma2 semaphore(%run_scoped3A : memref<!tpu.dma_semaphore, #tpu.memory_space<semaphore_mem>>) src(%dma_wait3A_712 : memref<1024xi32, #tpu.memory_space<hbm>>) dst(%arg7 : memref<1024xi32, #tpu.memory_space<vmem>>)
      tpu.yield
    }) : () -> ()
    %scan3A = arith.constant 0 : i32
    %scan3A_5 = arith.constant 0 : i32
    %scan3A_6 = arith.constant 32 : i32
    %scan3A_7 = arith.addi %scan3A_5, %scan3A_6 : i32
    %scan3A_8 = arith.constant 1 : i32
    scf.for %scan3A_709 = %scan3A_5 to %scan3A_7 step %scan3A_8  : i32 {
      %mul3A_710 = arith.constant 16 : i32
      %mul3A_711 = arith.muli %scan3A_709, %mul3A_710 : i32
      %iota3A = tpu.iota {dimensions = array<i32: 0>} : vector<16xi32>
      %add3A_712 = vector.broadcast %mul3A_711 : i32 to vector<16xi32>
      %add3A_713 = arith.addi %add3A_712, %iota3A : vector<16xi32>
      %mul3A_714 = arith.constant 2 : i32
      %mul3A_715 = vector.broadcast %mul3A_714 : i32 to vector<16xi32>
      %mul3A_716 = arith.muli %mul3A_715, %add3A_713 : vector<16xi32>
      %gather3A = tpu.vector_load_idx %arg7[%mul3A_716] : memref<1024xi32, #tpu.memory_space<vmem>>[vector<16xi32>], vector<16xi32>,
      %add3A_717 = arith.constant 1 : i32
      %add3A_718 = vector.broadcast %add3A_717 : i32 to vector<16xi32>
      %add3A_719 = arith.addi %mul3A_716, %add3A_718 : vector<16xi32>
      %gather3A_720 = tpu.vector_load_idx %arg7[%add3A_719] : memref<1024xi32, #tpu.memory_space<vmem>>[vector<16xi32>], vector<16xi32>,
      %jit3A = arith.constant 8 : i32
      %div3A_721 = arith.divsi %scan3A_709, %jit3A : i32
      %sign3A = arith.constant 0 : i32
      %sign3A_722 = arith.cmpi sgt, %scan3A_709, %sign3A : i32
      %sign3A_723 = arith.extui %sign3A_722 : i1 to i32
      %sign3A_724 = arith.constant 0 : i32
      %sign3A_725 = arith.cmpi slt, %scan3A_709, %sign3A_724 : i32
      %sign3A_726 = arith.extui %sign3A_725 : i1 to i32
      %sign3A_727 = arith.subi %sign3A_723, %sign3A_726 : i32
      %sign3A_728 = arith.constant 0 : i32
      %sign3A_729 = arith.cmpi sgt, %jit3A, %sign3A_728 : i32
      %sign3A_730 = arith.extui %sign3A_729 : i1 to i32
      %sign3A_731 = arith.constant 0 : i32
      %sign3A_732 = arith.cmpi slt, %jit3A, %sign3A_731 : i32
      %sign3A_733 = arith.extui %sign3A_732 : i1 to i32
      %sign3A_734 = arith.subi %sign3A_730, %sign3A_733 : i32
      %ne3A = arith.cmpi ne, %sign3A_727, %sign3A_734 : i32
      %rem3A = arith.remsi %scan3A_709, %jit3A : i32
      %ne3A_735 = arith.constant 0 : i32
      %ne3A_736 = arith.cmpi ne, %rem3A, %ne3A_735 : i32
      %and3A = arith.andi %ne3A, %ne3A_736 : i1
      %sub3A = arith.constant 1 : i32
      %sub3A_737 = arith.subi %div3A_721, %sub3A : i32
      %select_n3A = arith.select %and3A, %sub3A_737, %div3A_721 : i32
      %jit3A_738 = arith.constant 8 : i32
      %eq3A = arith.constant 0 : i32
      %eq3A_739 = arith.cmpi eq, %jit3A_738, %eq3A : i32
      %jit3A_740 = arith.constant 1 : i32
      %select_n3A_741 = arith.select %eq3A_739, %jit3A_740, %jit3A_738 : i32
      %rem3A_742 = arith.remsi %scan3A_709, %select_n3A_741 : i32
      %ne3A_743 = arith.constant 0 : i32
      %ne3A_744 = arith.cmpi ne, %rem3A_742, %ne3A_743 : i32
      %lt3A = arith.constant 0 : i32
      %lt3A_745 = arith.cmpi slt, %rem3A_742, %lt3A : i32
      %lt3A_746 = arith.constant 0 : i32
      %lt3A_747 = arith.cmpi slt, %select_n3A_741, %lt3A_746 : i32
      %ne3A_748 = arith.xori %lt3A_745, %lt3A_747 : i1
      %and3A_749 = arith.andi %ne3A_748, %ne3A_744 : i1
      %add3A_750 = arith.addi %rem3A_742, %select_n3A_741 : i32
      %select_n3A_751 = arith.select %and3A_749, %add3A_750, %rem3A_742 : i32
      %mul3A_752 = arith.constant 16 : i32
      %mul3A_753 = arith.muli %select_n3A_751, %mul3A_752 : i32
      %swap3A_754 = arith.index_cast %select_n3A : i32 to index
      %swap3A_755 = arith.index_cast %mul3A_753 : i32 to index
      %swap3A_756 = tpu.vector_load %arg8[%swap3A_754, %swap3A_755] {strides = array<i32>} : memref<4x128xi32, #tpu.memory_space<vmem>>, vector<16xi32>,
      tpu.vector_store %arg8[%swap3A_754, %swap3A_755], %gather3A {strides = array<i32>} : memref<4x128xi32, #tpu.memory_space<vmem>>, vector<16xi32>,
      %swap3A_757 = arith.index_cast %select_n3A : i32 to index
      %swap3A_758 = arith.index_cast %mul3A_753 : i32 to index
      %swap3A_759 = tpu.vector_load %arg9[%swap3A_757, %swap3A_758] {strides = array<i32>} : memref<4x128xi32, #tpu.memory_space<vmem>>, vector<16xi32>,
      tpu.vector_store %arg9[%swap3A_757, %swap3A_758], %gather3A_720 {strides = array<i32>} : memref<4x128xi32, #tpu.memory_space<vmem>>, vector<16xi32>,
    }
    %scan3A_9 = arith.constant 32 : i32
    %dma_start3A = arith.constant 0 : i32
    %dma_start3A_10 = arith.constant 0 : i32
    %dma_start3A_11 = tpu.memref_slice %arg10[%dma_start3A_10] : memref<1024xf32, #tpu.memory_space<vmem>> -> memref<128xf32, #tpu.memory_space<vmem>>
    %dma_start3A_12 = arith.constant 0 : i32
    %dma_start3A_13 = tpu.memref_slice %arg8[%dma_start3A, %dma_start3A_12] : memref<4x128xi32, #tpu.memory_space<vmem>> -> memref<1x128xi32, #tpu.memory_space<vmem>>
    %dma_start3A_14 = tpu.memref_squeeze %dma_start3A_13 : memref<1x128xi32, #tpu.memory_space<vmem>> -> memref<128xi32, #tpu.memory_space<vmem>>
    %dma_start3A_15 = arith.constant 0 : i32
    %dma_start3A_16 = tpu.memref_slice %arg3[%dma_start3A_15] : memref<1000000xf32, #tpu.memory_space<hbm>> -> memref<1000000xf32, #tpu.memory_space<hbm>>
    tpu.enqueue_indirect_dma source(%dma_start3A_16 : memref<1000000xf32, #tpu.memory_space<hbm>>) target(%dma_start3A_11 : memref<128xf32, #tpu.memory_space<vmem>>) offsets(%dma_start3A_14 : memref<128xi32, #tpu.memory_space<vmem>>) semaphore(%arg13 : memref<!tpu.dma_semaphore, #tpu.memory_space<semaphore_mem>>)
    %dma_start3A_17 = arith.constant 0 : i32
    %dma_start3A_18 = arith.constant 512 : i32
    %dma_start3A_19 = tpu.memref_slice %arg10[%dma_start3A_18] : memref<1024xf32, #tpu.memory_space<vmem>> -> memref<128xf32, #tpu.memory_space<vmem>>
    %dma_start3A_20 = arith.constant 0 : i32
    %dma_start3A_21 = tpu.memref_slice %arg9[%dma_start3A_17, %dma_start3A_20] : memref<4x128xi32, #tpu.memory_space<vmem>> -> memref<1x128xi32, #tpu.memory_space<vmem>>
    %dma_start3A_22 = tpu.memref_squeeze %dma_start3A_21 : memref<1x128xi32, #tpu.memory_space<vmem>> -> memref<128xi32, #tpu.memory_space<vmem>>
    %dma_start3A_23 = arith.constant 0 : i32
    %dma_start3A_24 = tpu.memref_slice %arg4[%dma_start3A_23] : memref<1000000xf32, #tpu.memory_space<hbm>> -> memref<1000000xf32, #tpu.memory_space<hbm>>
    tpu.enqueue_indirect_dma source(%dma_start3A_24 : memref<1000000xf32, #tpu.memory_space<hbm>>) target(%dma_start3A_19 : memref<128xf32, #tpu.memory_space<vmem>>) offsets(%dma_start3A_22 : memref<128xi32, #tpu.memory_space<vmem>>) semaphore(%arg14 : memref<!tpu.dma_semaphore, #tpu.memory_space<semaphore_mem>>)
    %dma_start3A_25 = arith.constant 1 : i32
    %dma_start3A_26 = arith.constant 128 : i32
    %dma_start3A_27 = tpu.memref_slice %arg10[%dma_start3A_26] : memref<1024xf32, #tpu.memory_space<vmem>> -> memref<128xf32, #tpu.memory_space<vmem>>
    %dma_start3A_28 = arith.constant 0 : i32
    %dma_start3A_29 = tpu.memref_slice %arg8[%dma_start3A_25, %dma_start3A_28] : memref<4x128xi32, #tpu.memory_space<vmem>> -> memref<1x128xi32, #tpu.memory_space<vmem>>
    %dma_start3A_30 = tpu.memref_squeeze %dma_start3A_29 : memref<1x128xi32, #tpu.memory_space<vmem>> -> memref<128xi32, #tpu.memory_space<vmem>>
    %dma_start3A_31 = arith.constant 0 : i32
    %dma_start3A_32 = tpu.memref_slice %arg3[%dma_start3A_31] : memref<1000000xf32, #tpu.memory_space<hbm>> -> memref<1000000xf32, #tpu.memory_space<hbm>>
    tpu.enqueue_indirect_dma source(%dma_start3A_32 : memref<1000000xf32, #tpu.memory_space<hbm>>) target(%dma_start3A_27 : memref<128xf32, #tpu.memory_space<vmem>>) offsets(%dma_start3A_30 : memref<128xi32, #tpu.memory_space<vmem>>) semaphore(%arg13 : memref<!tpu.dma_semaphore, #tpu.memory_space<semaphore_mem>>)
    %dma_start3A_33 = arith.constant 1 : i32
    %dma_start3A_34 = arith.constant 640 : i32
    %dma_start3A_35 = tpu.memref_slice %arg10[%dma_start3A_34] : memref<1024xf32, #tpu.memory_space<vmem>> -> memref<128xf32, #tpu.memory_space<vmem>>
    %dma_start3A_36 = arith.constant 0 : i32
    %dma_start3A_37 = tpu.memref_slice %arg9[%dma_start3A_33, %dma_start3A_36] : memref<4x128xi32, #tpu.memory_space<vmem>> -> memref<1x128xi32, #tpu.memory_space<vmem>>
    %dma_start3A_38 = tpu.memref_squeeze %dma_start3A_37 : memref<1x128xi32, #tpu.memory_space<vmem>> -> memref<128xi32, #tpu.memory_space<vmem>>
    %dma_start3A_39 = arith.constant 0 : i32
    %dma_start3A_40 = tpu.memref_slice %arg4[%dma_start3A_39] : memref<1000000xf32, #tpu.memory_space<hbm>> -> memref<1000000xf32, #tpu.memory_space<hbm>>
    tpu.enqueue_indirect_dma source(%dma_start3A_40 : memref<1000000xf32, #tpu.memory_space<hbm>>) target(%dma_start3A_35 : memref<128xf32, #tpu.memory_space<vmem>>) offsets(%dma_start3A_38 : memref<128xi32, #tpu.memory_space<vmem>>) semaphore(%arg14 : memref<!tpu.dma_semaphore, #tpu.memory_space<semaphore_mem>>)
    %dma_start3A_41 = arith.constant 2 : i32
    %dma_start3A_42 = arith.constant 256 : i32
    %dma_start3A_43 = tpu.memref_slice %arg10[%dma_start3A_42] : memref<1024xf32, #tpu.memory_space<vmem>> -> memref<128xf32, #tpu.memory_space<vmem>>
    %dma_start3A_44 = arith.constant 0 : i32
    %dma_start3A_45 = tpu.memref_slice %arg8[%dma_start3A_41, %dma_start3A_44] : memref<4x128xi32, #tpu.memory_space<vmem>> -> memref<1x128xi32, #tpu.memory_space<vmem>>
    %dma_start3A_46 = tpu.memref_squeeze %dma_start3A_45 : memref<1x128xi32, #tpu.memory_space<vmem>> -> memref<128xi32, #tpu.memory_space<vmem>>
    %dma_start3A_47 = arith.constant 0 : i32
    %dma_start3A_48 = tpu.memref_slice %arg3[%dma_start3A_47] : memref<1000000xf32, #tpu.memory_space<hbm>> -> memref<1000000xf32, #tpu.memory_space<hbm>>
    tpu.enqueue_indirect_dma source(%dma_start3A_48 : memref<1000000xf32, #tpu.memory_space<hbm>>) target(%dma_start3A_43 : memref<128xf32, #tpu.memory_space<vmem>>) offsets(%dma_start3A_46 : memref<128xi32, #tpu.memory_space<vmem>>) semaphore(%arg13 : memref<!tpu.dma_semaphore, #tpu.memory_space<semaphore_mem>>)
    %dma_start3A_49 = arith.constant 2 : i32
    %dma_start3A_50 = arith.constant 768 : i32
    %dma_start3A_51 = tpu.memref_slice %arg10[%dma_start3A_50] : memref<1024xf32, #tpu.memory_space<vmem>> -> memref<128xf32, #tpu.memory_space<vmem>>
    %dma_start3A_52 = arith.constant 0 : i32
    %dma_start3A_53 = tpu.memref_slice %arg9[%dma_start3A_49, %dma_start3A_52] : memref<4x128xi32, #tpu.memory_space<vmem>> -> memref<1x128xi32, #tpu.memory_space<vmem>>
    %dma_start3A_54 = tpu.memref_squeeze %dma_start3A_53 : memref<1x128xi32, #tpu.memory_space<vmem>> -> memref<128xi32, #tpu.memory_space<vmem>>
    %dma_start3A_55 = arith.constant 0 : i32
    %dma_start3A_56 = tpu.memref_slice %arg4[%dma_start3A_55] : memref<1000000xf32, #tpu.memory_space<hbm>> -> memref<1000000xf32, #tpu.memory_space<hbm>>
    tpu.enqueue_indirect_dma source(%dma_start3A_56 : memref<1000000xf32, #tpu.memory_space<hbm>>) target(%dma_start3A_51 : memref<128xf32, #tpu.memory_space<vmem>>) offsets(%dma_start3A_54 : memref<128xi32, #tpu.memory_space<vmem>>) semaphore(%arg14 : memref<!tpu.dma_semaphore, #tpu.memory_space<semaphore_mem>>)
    %dma_start3A_57 = arith.constant 3 : i32
    %dma_start3A_58 = arith.constant 384 : i32
    %dma_start3A_59 = tpu.memref_slice %arg10[%dma_start3A_58] : memref<1024xf32, #tpu.memory_space<vmem>> -> memref<128xf32, #tpu.memory_space<vmem>>
    %dma_start3A_60 = arith.constant 0 : i32
    %dma_start3A_61 = tpu.memref_slice %arg8[%dma_start3A_57, %dma_start3A_60] : memref<4x128xi32, #tpu.memory_space<vmem>> -> memref<1x128xi32, #tpu.memory_space<vmem>>
    %dma_start3A_62 = tpu.memref_squeeze %dma_start3A_61 : memref<1x128xi32, #tpu.memory_space<vmem>> -> memref<128xi32, #tpu.memory_space<vmem>>
    %dma_start3A_63 = arith.constant 0 : i32
    %dma_start3A_64 = tpu.memref_slice %arg3[%dma_start3A_63] : memref<1000000xf32, #tpu.memory_space<hbm>> -> memref<1000000xf32, #tpu.memory_space<hbm>>
    tpu.enqueue_indirect_dma source(%dma_start3A_64 : memref<1000000xf32, #tpu.memory_space<hbm>>) target(%dma_start3A_59 : memref<128xf32, #tpu.memory_space<vmem>>) offsets(%dma_start3A_62 : memref<128xi32, #tpu.memory_space<vmem>>) semaphore(%arg13 : memref<!tpu.dma_semaphore, #tpu.memory_space<semaphore_mem>>)
    %dma_start3A_65 = arith.constant 3 : i32
    %dma_start3A_66 = arith.constant 896 : i32
    %dma_start3A_67 = tpu.memref_slice %arg10[%dma_start3A_66] : memref<1024xf32, #tpu.memory_space<vmem>> -> memref<128xf32, #tpu.memory_space<vmem>>
    %dma_start3A_68 = arith.constant 0 : i32
    %dma_start3A_69 = tpu.memref_slice %arg9[%dma_start3A_65, %dma_start3A_68] : memref<4x128xi32, #tpu.memory_space<vmem>> -> memref<1x128xi32, #tpu.memory_space<vmem>>
    %dma_start3A_70 = tpu.memref_squeeze %dma_start3A_69 : memref<1x128xi32, #tpu.memory_space<vmem>> -> memref<128xi32, #tpu.memory_space<vmem>>
    %dma_start3A_71 = arith.constant 0 : i32
    %dma_start3A_72 = tpu.memref_slice %arg4[%dma_start3A_71] : memref<1000000xf32, #tpu.memory_space<hbm>> -> memref<1000000xf32, #tpu.memory_space<hbm>>
    tpu.enqueue_indirect_dma source(%dma_start3A_72 : memref<1000000xf32, #tpu.memory_space<hbm>>) target(%dma_start3A_67 : memref<128xf32, #tpu.memory_space<vmem>>) offsets(%dma_start3A_70 : memref<128xi32, #tpu.memory_space<vmem>>) semaphore(%arg14 : memref<!tpu.dma_semaphore, #tpu.memory_space<semaphore_mem>>)
    %dma_wait3A = arith.constant 0 : i32
    %dma_wait3A_73 = arith.constant 0 : i32
    %dma_wait3A_74 = tpu.memref_slice %arg10[%dma_wait3A_73] : memref<1024xf32, #tpu.memory_space<vmem>> -> memref<128xf32, #tpu.memory_space<vmem>>
    %dma_wait3A_75 = arith.constant 0 : i32
    %dma_wait3A_76 = tpu.memref_slice %arg8[%dma_wait3A, %dma_wait3A_75] : memref<4x128xi32, #tpu.memory_space<vmem>> -> memref<1x128xi32, #tpu.memory_space<vmem>>
    %dma_wait3A_77 = tpu.memref_squeeze %dma_wait3A_76 : memref<1x128xi32, #tpu.memory_space<vmem>> -> memref<128xi32, #tpu.memory_space<vmem>>
    %dma_wait3A_78 = arith.constant 0 : i32
    %dma_wait3A_79 = tpu.memref_slice %arg3[%dma_wait3A_78] : memref<1000000xf32, #tpu.memory_space<hbm>> -> memref<1000000xf32, #tpu.memory_space<hbm>>
    tpu.wait_indirect_dma semaphore(%arg13 : memref<!tpu.dma_semaphore, #tpu.memory_space<semaphore_mem>>) src(%dma_wait3A_79 : memref<1000000xf32, #tpu.memory_space<hbm>>) dst(%dma_wait3A_74 : memref<128xf32, #tpu.memory_space<vmem>>)
    %dma_wait3A_80 = arith.constant 0 : i32
    %dma_wait3A_81 = arith.constant 512 : i32
    %dma_wait3A_82 = tpu.memref_slice %arg10[%dma_wait3A_81] : memref<1024xf32, #tpu.memory_space<vmem>> -> memref<128xf32, #tpu.memory_space<vmem>>
    %dma_wait3A_83 = arith.constant 0 : i32
    %dma_wait3A_84 = tpu.memref_slice %arg9[%dma_wait3A_80, %dma_wait3A_83] : memref<4x128xi32, #tpu.memory_space<vmem>> -> memref<1x128xi32, #tpu.memory_space<vmem>>
    %dma_wait3A_85 = tpu.memref_squeeze %dma_wait3A_84 : memref<1x128xi32, #tpu.memory_space<vmem>> -> memref<128xi32, #tpu.memory_space<vmem>>
    %dma_wait3A_86 = arith.constant 0 : i32
    %dma_wait3A_87 = tpu.memref_slice %arg4[%dma_wait3A_86] : memref<1000000xf32, #tpu.memory_space<hbm>> -> memref<1000000xf32, #tpu.memory_space<hbm>>
    tpu.wait_indirect_dma semaphore(%arg14 : memref<!tpu.dma_semaphore, #tpu.memory_space<semaphore_mem>>) src(%dma_wait3A_87 : memref<1000000xf32, #tpu.memory_space<hbm>>) dst(%dma_wait3A_82 : memref<128xf32, #tpu.memory_space<vmem>>)
    %dma_wait3A_88 = arith.constant 1 : i32
    %dma_wait3A_89 = arith.constant 128 : i32
    %dma_wait3A_90 = tpu.memref_slice %arg10[%dma_wait3A_89] : memref<1024xf32, #tpu.memory_space<vmem>> -> memref<128xf32, #tpu.memory_space<vmem>>
    %dma_wait3A_91 = arith.constant 0 : i32
    %dma_wait3A_92 = tpu.memref_slice %arg8[%dma_wait3A_88, %dma_wait3A_91] : memref<4x128xi32, #tpu.memory_space<vmem>> -> memref<1x128xi32, #tpu.memory_space<vmem>>
    %dma_wait3A_93 = tpu.memref_squeeze %dma_wait3A_92 : memref<1x128xi32, #tpu.memory_space<vmem>> -> memref<128xi32, #tpu.memory_space<vmem>>
    %dma_wait3A_94 = arith.constant 0 : i32
    %dma_wait3A_95 = tpu.memref_slice %arg3[%dma_wait3A_94] : memref<1000000xf32, #tpu.memory_space<hbm>> -> memref<1000000xf32, #tpu.memory_space<hbm>>
    tpu.wait_indirect_dma semaphore(%arg13 : memref<!tpu.dma_semaphore, #tpu.memory_space<semaphore_mem>>) src(%dma_wait3A_95 : memref<1000000xf32, #tpu.memory_space<hbm>>) dst(%dma_wait3A_90 : memref<128xf32, #tpu.memory_space<vmem>>)
    %dma_wait3A_96 = arith.constant 1 : i32
    %dma_wait3A_97 = arith.constant 640 : i32
    %dma_wait3A_98 = tpu.memref_slice %arg10[%dma_wait3A_97] : memref<1024xf32, #tpu.memory_space<vmem>> -> memref<128xf32, #tpu.memory_space<vmem>>
    %dma_wait3A_99 = arith.constant 0 : i32
    %dma_wait3A_100 = tpu.memref_slice %arg9[%dma_wait3A_96, %dma_wait3A_99] : memref<4x128xi32, #tpu.memory_space<vmem>> -> memref<1x128xi32, #tpu.memory_space<vmem>>
    %dma_wait3A_101 = tpu.memref_squeeze %dma_wait3A_100 : memref<1x128xi32, #tpu.memory_space<vmem>> -> memref<128xi32, #tpu.memory_space<vmem>>
    %dma_wait3A_102 = arith.constant 0 : i32
    %dma_wait3A_103 = tpu.memref_slice %arg4[%dma_wait3A_102] : memref<1000000xf32, #tpu.memory_space<hbm>> -> memref<1000000xf32, #tpu.memory_space<hbm>>
    tpu.wait_indirect_dma semaphore(%arg14 : memref<!tpu.dma_semaphore, #tpu.memory_space<semaphore_mem>>) src(%dma_wait3A_103 : memref<1000000xf32, #tpu.memory_space<hbm>>) dst(%dma_wait3A_98 : memref<128xf32, #tpu.memory_space<vmem>>)
    %dma_wait3A_104 = arith.constant 2 : i32
    %dma_wait3A_105 = arith.constant 256 : i32
    %dma_wait3A_106 = tpu.memref_slice %arg10[%dma_wait3A_105] : memref<1024xf32, #tpu.memory_space<vmem>> -> memref<128xf32, #tpu.memory_space<vmem>>
    %dma_wait3A_107 = arith.constant 0 : i32
    %dma_wait3A_108 = tpu.memref_slice %arg8[%dma_wait3A_104, %dma_wait3A_107] : memref<4x128xi32, #tpu.memory_space<vmem>> -> memref<1x128xi32, #tpu.memory_space<vmem>>
    %dma_wait3A_109 = tpu.memref_squeeze %dma_wait3A_108 : memref<1x128xi32, #tpu.memory_space<vmem>> -> memref<128xi32, #tpu.memory_space<vmem>>
    %dma_wait3A_110 = arith.constant 0 : i32
    %dma_wait3A_111 = tpu.memref_slice %arg3[%dma_wait3A_110] : memref<1000000xf32, #tpu.memory_space<hbm>> -> memref<1000000xf32, #tpu.memory_space<hbm>>
    tpu.wait_indirect_dma semaphore(%arg13 : memref<!tpu.dma_semaphore, #tpu.memory_space<semaphore_mem>>) src(%dma_wait3A_111 : memref<1000000xf32, #tpu.memory_space<hbm>>) dst(%dma_wait3A_106 : memref<128xf32, #tpu.memory_space<vmem>>)
    %dma_wait3A_112 = arith.constant 2 : i32
    %dma_wait3A_113 = arith.constant 768 : i32
    %dma_wait3A_114 = tpu.memref_slice %arg10[%dma_wait3A_113] : memref<1024xf32, #tpu.memory_space<vmem>> -> memref<128xf32, #tpu.memory_space<vmem>>
    %dma_wait3A_115 = arith.constant 0 : i32
    %dma_wait3A_116 = tpu.memref_slice %arg9[%dma_wait3A_112, %dma_wait3A_115] : memref<4x128xi32, #tpu.memory_space<vmem>> -> memref<1x128xi32, #tpu.memory_space<vmem>>
    %dma_wait3A_117 = tpu.memref_squeeze %dma_wait3A_116 : memref<1x128xi32, #tpu.memory_space<vmem>> -> memref<128xi32, #tpu.memory_space<vmem>>
    %dma_wait3A_118 = arith.constant 0 : i32
    %dma_wait3A_119 = tpu.memref_slice %arg4[%dma_wait3A_118] : memref<1000000xf32, #tpu.memory_space<hbm>> -> memref<1000000xf32, #tpu.memory_space<hbm>>
    tpu.wait_indirect_dma semaphore(%arg14 : memref<!tpu.dma_semaphore, #tpu.memory_space<semaphore_mem>>) src(%dma_wait3A_119 : memref<1000000xf32, #tpu.memory_space<hbm>>) dst(%dma_wait3A_114 : memref<128xf32, #tpu.memory_space<vmem>>)
    %dma_wait3A_120 = arith.constant 3 : i32
    %dma_wait3A_121 = arith.constant 384 : i32
    %dma_wait3A_122 = tpu.memref_slice %arg10[%dma_wait3A_121] : memref<1024xf32, #tpu.memory_space<vmem>> -> memref<128xf32, #tpu.memory_space<vmem>>
    %dma_wait3A_123 = arith.constant 0 : i32
    %dma_wait3A_124 = tpu.memref_slice %arg8[%dma_wait3A_120, %dma_wait3A_123] : memref<4x128xi32, #tpu.memory_space<vmem>> -> memref<1x128xi32, #tpu.memory_space<vmem>>
    %dma_wait3A_125 = tpu.memref_squeeze %dma_wait3A_124 : memref<1x128xi32, #tpu.memory_space<vmem>> -> memref<128xi32, #tpu.memory_space<vmem>>
    %dma_wait3A_126 = arith.constant 0 : i32
    %dma_wait3A_127 = tpu.memref_slice %arg3[%dma_wait3A_126] : memref<1000000xf32, #tpu.memory_space<hbm>> -> memref<1000000xf32, #tpu.memory_space<hbm>>
    tpu.wait_indirect_dma semaphore(%arg13 : memref<!tpu.dma_semaphore, #tpu.memory_space<semaphore_mem>>) src(%dma_wait3A_127 : memref<1000000xf32, #tpu.memory_space<hbm>>) dst(%dma_wait3A_122 : memref<128xf32, #tpu.memory_space<vmem>>)
    %dma_wait3A_128 = arith.constant 3 : i32
    %dma_wait3A_129 = arith.constant 896 : i32
    %dma_wait3A_130 = tpu.memref_slice %arg10[%dma_wait3A_129] : memref<1024xf32, #tpu.memory_space<vmem>> -> memref<128xf32, #tpu.memory_space<vmem>>
    %dma_wait3A_131 = arith.constant 0 : i32
    %dma_wait3A_132 = tpu.memref_slice %arg9[%dma_wait3A_128, %dma_wait3A_131] : memref<4x128xi32, #tpu.memory_space<vmem>> -> memref<1x128xi32, #tpu.memory_space<vmem>>
    %dma_wait3A_133 = tpu.memref_squeeze %dma_wait3A_132 : memref<1x128xi32, #tpu.memory_space<vmem>> -> memref<128xi32, #tpu.memory_space<vmem>>
    %dma_wait3A_134 = arith.constant 0 : i32
    %dma_wait3A_135 = tpu.memref_slice %arg4[%dma_wait3A_134] : memref<1000000xf32, #tpu.memory_space<hbm>> -> memref<1000000xf32, #tpu.memory_space<hbm>>
    tpu.wait_indirect_dma semaphore(%arg14 : memref<!tpu.dma_semaphore, #tpu.memory_space<semaphore_mem>>) src(%dma_wait3A_135 : memref<1000000xf32, #tpu.memory_space<hbm>>) dst(%dma_wait3A_130 : memref<128xf32, #tpu.memory_space<vmem>>)
    %get3A = arith.constant 0 : index
    %get3A_136 = tpu.vector_load %arg11[%get3A] {strides = array<i32>} : memref<16xf32, #tpu.memory_space<vmem>>, vector<16xf32>,
    %get3A_137 = arith.constant 0 : index
    %get3A_138 = tpu.vector_load %arg10[%get3A_137] {strides = array<i32>} : memref<1024xf32, #tpu.memory_space<vmem>>, vector<16xf32>,
    %get3A_139 = arith.constant 512 : index
    %get3A_140 = tpu.vector_load %arg10[%get3A_139] {strides = array<i32>} : memref<1024xf32, #tpu.memory_space<vmem>>, vector<16xf32>,
    %add3A_141 = arith.addf %get3A_138, %get3A_140 : vector<16xf32>
    %add3A_142 = arith.addf %add3A_141, %get3A_136 : vector<16xf32>
    %neg3A = arith.constant 0.000000e+00 : f32
    %neg3A_143 = vector.broadcast %neg3A : f32 to vector<16xf32>
    %neg3A_144 = arith.subf %neg3A_143, %add3A_142 : vector<16xf32>
    %exp3A = math.exp %neg3A_144 : vector<16xf32>
    %add3A_145 = arith.constant 1.000000e+00 : f32
    %add3A_146 = vector.broadcast %add3A_145 : f32 to vector<16xf32>
    %add3A_147 = arith.addf %add3A_146, %exp3A : vector<16xf32>
    %div3A = arith.constant 1.000000e+00 : f32
    %div3A_148 = vector.broadcast %div3A : f32 to vector<16xf32>
    %div3A_149 = arith.divf %div3A_148, %add3A_147 : vector<16xf32>
    %swap3A = arith.constant 0 : index
    %swap3A_150 = tpu.vector_load %arg12[%swap3A] {strides = array<i32>} : memref<512xf32, #tpu.memory_space<vmem>>, vector<16xf32>,
    tpu.vector_store %arg12[%swap3A], %div3A_149 {strides = array<i32>} : memref<512xf32, #tpu.memory_space<vmem>>, vector<16xf32>,
    %get3A_151 = arith.constant 16 : index
    %get3A_152 = tpu.vector_load %arg10[%get3A_151] {strides = array<i32>} : memref<1024xf32, #tpu.memory_space<vmem>>, vector<16xf32>,
    %get3A_153 = arith.constant 528 : index
    %get3A_154 = tpu.vector_load %arg10[%get3A_153] {strides = array<i32>} : memref<1024xf32, #tpu.memory_space<vmem>>, vector<16xf32>,
    %add3A_155 = arith.addf %get3A_152, %get3A_154 : vector<16xf32>
    %add3A_156 = arith.addf %add3A_155, %get3A_136 : vector<16xf32>
    %neg3A_157 = arith.constant 0.000000e+00 : f32
    %neg3A_158 = vector.broadcast %neg3A_157 : f32 to vector<16xf32>
    %neg3A_159 = arith.subf %neg3A_158, %add3A_156 : vector<16xf32>
    %exp3A_160 = math.exp %neg3A_159 : vector<16xf32>
    %add3A_161 = arith.constant 1.000000e+00 : f32
    %add3A_162 = vector.broadcast %add3A_161 : f32 to vector<16xf32>
    %add3A_163 = arith.addf %add3A_162, %exp3A_160 : vector<16xf32>
    %div3A_164 = arith.constant 1.000000e+00 : f32
    %div3A_165 = vector.broadcast %div3A_164 : f32 to vector<16xf32>
    %div3A_166 = arith.divf %div3A_165, %add3A_163 : vector<16xf32>
    %swap3A_167 = arith.constant 16 : index
    %swap3A_168 = tpu.vector_load %arg12[%swap3A_167] {strides = array<i32>} : memref<512xf32, #tpu.memory_space<vmem>>, vector<16xf32>,
    tpu.vector_store %arg12[%swap3A_167], %div3A_166 {strides = array<i32>} : memref<512xf32, #tpu.memory_space<vmem>>, vector<16xf32>,
    %get3A_169 = arith.constant 32 : index
    %get3A_170 = tpu.vector_load %arg10[%get3A_169] {strides = array<i32>} : memref<1024xf32, #tpu.memory_space<vmem>>, vector<16xf32>,
    %get3A_171 = arith.constant 544 : index
    %get3A_172 = tpu.vector_load %arg10[%get3A_171] {strides = array<i32>} : memref<1024xf32, #tpu.memory_space<vmem>>, vector<16xf32>,
    %add3A_173 = arith.addf %get3A_170, %get3A_172 : vector<16xf32>
    %add3A_174 = arith.addf %add3A_173, %get3A_136 : vector<16xf32>
    %neg3A_175 = arith.constant 0.000000e+00 : f32
    %neg3A_176 = vector.broadcast %neg3A_175 : f32 to vector<16xf32>
    %neg3A_177 = arith.subf %neg3A_176, %add3A_174 : vector<16xf32>
    %exp3A_178 = math.exp %neg3A_177 : vector<16xf32>
    %add3A_179 = arith.constant 1.000000e+00 : f32
    %add3A_180 = vector.broadcast %add3A_179 : f32 to vector<16xf32>
    %add3A_181 = arith.addf %add3A_180, %exp3A_178 : vector<16xf32>
    %div3A_182 = arith.constant 1.000000e+00 : f32
    %div3A_183 = vector.broadcast %div3A_182 : f32 to vector<16xf32>
    %div3A_184 = arith.divf %div3A_183, %add3A_181 : vector<16xf32>
    %swap3A_185 = arith.constant 32 : index
    %swap3A_186 = tpu.vector_load %arg12[%swap3A_185] {strides = array<i32>} : memref<512xf32, #tpu.memory_space<vmem>>, vector<16xf32>,
    tpu.vector_store %arg12[%swap3A_185], %div3A_184 {strides = array<i32>} : memref<512xf32, #tpu.memory_space<vmem>>, vector<16xf32>,
    %get3A_187 = arith.constant 48 : index
    %get3A_188 = tpu.vector_load %arg10[%get3A_187] {strides = array<i32>} : memref<1024xf32, #tpu.memory_space<vmem>>, vector<16xf32>,
    %get3A_189 = arith.constant 560 : index
    %get3A_190 = tpu.vector_load %arg10[%get3A_189] {strides = array<i32>} : memref<1024xf32, #tpu.memory_space<vmem>>, vector<16xf32>,
    %add3A_191 = arith.addf %get3A_188, %get3A_190 : vector<16xf32>
    %add3A_192 = arith.addf %add3A_191, %get3A_136 : vector<16xf32>
    %neg3A_193 = arith.constant 0.000000e+00 : f32
    %neg3A_194 = vector.broadcast %neg3A_193 : f32 to vector<16xf32>
    %neg3A_195 = arith.subf %neg3A_194, %add3A_192 : vector<16xf32>
    %exp3A_196 = math.exp %neg3A_195 : vector<16xf32>
    %add3A_197 = arith.constant 1.000000e+00 : f32
    %add3A_198 = vector.broadcast %add3A_197 : f32 to vector<16xf32>
    %add3A_199 = arith.addf %add3A_198, %exp3A_196 : vector<16xf32>
    %div3A_200 = arith.constant 1.000000e+00 : f32
    %div3A_201 = vector.broadcast %div3A_200 : f32 to vector<16xf32>
    %div3A_202 = arith.divf %div3A_201, %add3A_199 : vector<16xf32>
    %swap3A_203 = arith.constant 48 : index
    %swap3A_204 = tpu.vector_load %arg12[%swap3A_203] {strides = array<i32>} : memref<512xf32, #tpu.memory_space<vmem>>, vector<16xf32>,
    tpu.vector_store %arg12[%swap3A_203], %div3A_202 {strides = array<i32>} : memref<512xf32, #tpu.memory_space<vmem>>, vector<16xf32>,
    %get3A_205 = arith.constant 64 : index
    %get3A_206 = tpu.vector_load %arg10[%get3A_205] {strides = array<i32>} : memref<1024xf32, #tpu.memory_space<vmem>>, vector<16xf32>,
    %get3A_207 = arith.constant 576 : index
    %get3A_208 = tpu.vector_load %arg10[%get3A_207] {strides = array<i32>} : memref<1024xf32, #tpu.memory_space<vmem>>, vector<16xf32>,
    %add3A_209 = arith.addf %get3A_206, %get3A_208 : vector<16xf32>
    %add3A_210 = arith.addf %add3A_209, %get3A_136 : vector<16xf32>
    %neg3A_211 = arith.constant 0.000000e+00 : f32
    %neg3A_212 = vector.broadcast %neg3A_211 : f32 to vector<16xf32>
    %neg3A_213 = arith.subf %neg3A_212, %add3A_210 : vector<16xf32>
    %exp3A_214 = math.exp %neg3A_213 : vector<16xf32>
    %add3A_215 = arith.constant 1.000000e+00 : f32
    %add3A_216 = vector.broadcast %add3A_215 : f32 to vector<16xf32>
    %add3A_217 = arith.addf %add3A_216, %exp3A_214 : vector<16xf32>
    %div3A_218 = arith.constant 1.000000e+00 : f32
    %div3A_219 = vector.broadcast %div3A_218 : f32 to vector<16xf32>
    %div3A_220 = arith.divf %div3A_219, %add3A_217 : vector<16xf32>
    %swap3A_221 = arith.constant 64 : index
    %swap3A_222 = tpu.vector_load %arg12[%swap3A_221] {strides = array<i32>} : memref<512xf32, #tpu.memory_space<vmem>>, vector<16xf32>,
    tpu.vector_store %arg12[%swap3A_221], %div3A_220 {strides = array<i32>} : memref<512xf32, #tpu.memory_space<vmem>>, vector<16xf32>,
    %get3A_223 = arith.constant 80 : index
    %get3A_224 = tpu.vector_load %arg10[%get3A_223] {strides = array<i32>} : memref<1024xf32, #tpu.memory_space<vmem>>, vector<16xf32>,
    %get3A_225 = arith.constant 592 : index
    %get3A_226 = tpu.vector_load %arg10[%get3A_225] {strides = array<i32>} : memref<1024xf32, #tpu.memory_space<vmem>>, vector<16xf32>,
    %add3A_227 = arith.addf %get3A_224, %get3A_226 : vector<16xf32>
    %add3A_228 = arith.addf %add3A_227, %get3A_136 : vector<16xf32>
    %neg3A_229 = arith.constant 0.000000e+00 : f32
    %neg3A_230 = vector.broadcast %neg3A_229 : f32 to vector<16xf32>
    %neg3A_231 = arith.subf %neg3A_230, %add3A_228 : vector<16xf32>
    %exp3A_232 = math.exp %neg3A_231 : vector<16xf32>
    %add3A_233 = arith.constant 1.000000e+00 : f32
    %add3A_234 = vector.broadcast %add3A_233 : f32 to vector<16xf32>
    %add3A_235 = arith.addf %add3A_234, %exp3A_232 : vector<16xf32>
    %div3A_236 = arith.constant 1.000000e+00 : f32
    %div3A_237 = vector.broadcast %div3A_236 : f32 to vector<16xf32>
    %div3A_238 = arith.divf %div3A_237, %add3A_235 : vector<16xf32>
    %swap3A_239 = arith.constant 80 : index
    %swap3A_240 = tpu.vector_load %arg12[%swap3A_239] {strides = array<i32>} : memref<512xf32, #tpu.memory_space<vmem>>, vector<16xf32>,
    tpu.vector_store %arg12[%swap3A_239], %div3A_238 {strides = array<i32>} : memref<512xf32, #tpu.memory_space<vmem>>, vector<16xf32>,
    %get3A_241 = arith.constant 96 : index
    %get3A_242 = tpu.vector_load %arg10[%get3A_241] {strides = array<i32>} : memref<1024xf32, #tpu.memory_space<vmem>>, vector<16xf32>,
    %get3A_243 = arith.constant 608 : index
    %get3A_244 = tpu.vector_load %arg10[%get3A_243] {strides = array<i32>} : memref<1024xf32, #tpu.memory_space<vmem>>, vector<16xf32>,
    %add3A_245 = arith.addf %get3A_242, %get3A_244 : vector<16xf32>
    %add3A_246 = arith.addf %add3A_245, %get3A_136 : vector<16xf32>
    %neg3A_247 = arith.constant 0.000000e+00 : f32
    %neg3A_248 = vector.broadcast %neg3A_247 : f32 to vector<16xf32>
    %neg3A_249 = arith.subf %neg3A_248, %add3A_246 : vector<16xf32>
    %exp3A_250 = math.exp %neg3A_249 : vector<16xf32>
    %add3A_251 = arith.constant 1.000000e+00 : f32
    %add3A_252 = vector.broadcast %add3A_251 : f32 to vector<16xf32>
    %add3A_253 = arith.addf %add3A_252, %exp3A_250 : vector<16xf32>
    %div3A_254 = arith.constant 1.000000e+00 : f32
    %div3A_255 = vector.broadcast %div3A_254 : f32 to vector<16xf32>
    %div3A_256 = arith.divf %div3A_255, %add3A_253 : vector<16xf32>
    %swap3A_257 = arith.constant 96 : index
    %swap3A_258 = tpu.vector_load %arg12[%swap3A_257] {strides = array<i32>} : memref<512xf32, #tpu.memory_space<vmem>>, vector<16xf32>,
    tpu.vector_store %arg12[%swap3A_257], %div3A_256 {strides = array<i32>} : memref<512xf32, #tpu.memory_space<vmem>>, vector<16xf32>,
    %get3A_259 = arith.constant 112 : index
    %get3A_260 = tpu.vector_load %arg10[%get3A_259] {strides = array<i32>} : memref<1024xf32, #tpu.memory_space<vmem>>, vector<16xf32>,
    %get3A_261 = arith.constant 624 : index
    %get3A_262 = tpu.vector_load %arg10[%get3A_261] {strides = array<i32>} : memref<1024xf32, #tpu.memory_space<vmem>>, vector<16xf32>,
    %add3A_263 = arith.addf %get3A_260, %get3A_262 : vector<16xf32>
    %add3A_264 = arith.addf %add3A_263, %get3A_136 : vector<16xf32>
    %neg3A_265 = arith.constant 0.000000e+00 : f32
    %neg3A_266 = vector.broadcast %neg3A_265 : f32 to vector<16xf32>
    %neg3A_267 = arith.subf %neg3A_266, %add3A_264 : vector<16xf32>
    %exp3A_268 = math.exp %neg3A_267 : vector<16xf32>
    %add3A_269 = arith.constant 1.000000e+00 : f32
    %add3A_270 = vector.broadcast %add3A_269 : f32 to vector<16xf32>
    %add3A_271 = arith.addf %add3A_270, %exp3A_268 : vector<16xf32>
    %div3A_272 = arith.constant 1.000000e+00 : f32
    %div3A_273 = vector.broadcast %div3A_272 : f32 to vector<16xf32>
    %div3A_274 = arith.divf %div3A_273, %add3A_271 : vector<16xf32>
    %swap3A_275 = arith.constant 112 : index
    %swap3A_276 = tpu.vector_load %arg12[%swap3A_275] {strides = array<i32>} : memref<512xf32, #tpu.memory_space<vmem>>, vector<16xf32>,
    tpu.vector_store %arg12[%swap3A_275], %div3A_274 {strides = array<i32>} : memref<512xf32, #tpu.memory_space<vmem>>, vector<16xf32>,
    %get3A_277 = arith.constant 128 : index
    %get3A_278 = tpu.vector_load %arg10[%get3A_277] {strides = array<i32>} : memref<1024xf32, #tpu.memory_space<vmem>>, vector<16xf32>,
    %get3A_279 = arith.constant 640 : index
    %get3A_280 = tpu.vector_load %arg10[%get3A_279] {strides = array<i32>} : memref<1024xf32, #tpu.memory_space<vmem>>, vector<16xf32>,
    %add3A_281 = arith.addf %get3A_278, %get3A_280 : vector<16xf32>
    %add3A_282 = arith.addf %add3A_281, %get3A_136 : vector<16xf32>
    %neg3A_283 = arith.constant 0.000000e+00 : f32
    %neg3A_284 = vector.broadcast %neg3A_283 : f32 to vector<16xf32>
    %neg3A_285 = arith.subf %neg3A_284, %add3A_282 : vector<16xf32>
    %exp3A_286 = math.exp %neg3A_285 : vector<16xf32>
    %add3A_287 = arith.constant 1.000000e+00 : f32
    %add3A_288 = vector.broadcast %add3A_287 : f32 to vector<16xf32>
    %add3A_289 = arith.addf %add3A_288, %exp3A_286 : vector<16xf32>
    %div3A_290 = arith.constant 1.000000e+00 : f32
    %div3A_291 = vector.broadcast %div3A_290 : f32 to vector<16xf32>
    %div3A_292 = arith.divf %div3A_291, %add3A_289 : vector<16xf32>
    %swap3A_293 = arith.constant 128 : index
    %swap3A_294 = tpu.vector_load %arg12[%swap3A_293] {strides = array<i32>} : memref<512xf32, #tpu.memory_space<vmem>>, vector<16xf32>,
    tpu.vector_store %arg12[%swap3A_293], %div3A_292 {strides = array<i32>} : memref<512xf32, #tpu.memory_space<vmem>>, vector<16xf32>,
    %get3A_295 = arith.constant 144 : index
    %get3A_296 = tpu.vector_load %arg10[%get3A_295] {strides = array<i32>} : memref<1024xf32, #tpu.memory_space<vmem>>, vector<16xf32>,
    %get3A_297 = arith.constant 656 : index
    %get3A_298 = tpu.vector_load %arg10[%get3A_297] {strides = array<i32>} : memref<1024xf32, #tpu.memory_space<vmem>>, vector<16xf32>,
    %add3A_299 = arith.addf %get3A_296, %get3A_298 : vector<16xf32>
    %add3A_300 = arith.addf %add3A_299, %get3A_136 : vector<16xf32>
    %neg3A_301 = arith.constant 0.000000e+00 : f32
    %neg3A_302 = vector.broadcast %neg3A_301 : f32 to vector<16xf32>
    %neg3A_303 = arith.subf %neg3A_302, %add3A_300 : vector<16xf32>
    %exp3A_304 = math.exp %neg3A_303 : vector<16xf32>
    %add3A_305 = arith.constant 1.000000e+00 : f32
    %add3A_306 = vector.broadcast %add3A_305 : f32 to vector<16xf32>
    %add3A_307 = arith.addf %add3A_306, %exp3A_304 : vector<16xf32>
    %div3A_308 = arith.constant 1.000000e+00 : f32
    %div3A_309 = vector.broadcast %div3A_308 : f32 to vector<16xf32>
    %div3A_310 = arith.divf %div3A_309, %add3A_307 : vector<16xf32>
    %swap3A_311 = arith.constant 144 : index
    %swap3A_312 = tpu.vector_load %arg12[%swap3A_311] {strides = array<i32>} : memref<512xf32, #tpu.memory_space<vmem>>, vector<16xf32>,
    tpu.vector_store %arg12[%swap3A_311], %div3A_310 {strides = array<i32>} : memref<512xf32, #tpu.memory_space<vmem>>, vector<16xf32>,
    %get3A_313 = arith.constant 160 : index
    %get3A_314 = tpu.vector_load %arg10[%get3A_313] {strides = array<i32>} : memref<1024xf32, #tpu.memory_space<vmem>>, vector<16xf32>,
    %get3A_315 = arith.constant 672 : index
    %get3A_316 = tpu.vector_load %arg10[%get3A_315] {strides = array<i32>} : memref<1024xf32, #tpu.memory_space<vmem>>, vector<16xf32>,
    %add3A_317 = arith.addf %get3A_314, %get3A_316 : vector<16xf32>
    %add3A_318 = arith.addf %add3A_317, %get3A_136 : vector<16xf32>
    %neg3A_319 = arith.constant 0.000000e+00 : f32
    %neg3A_320 = vector.broadcast %neg3A_319 : f32 to vector<16xf32>
    %neg3A_321 = arith.subf %neg3A_320, %add3A_318 : vector<16xf32>
    %exp3A_322 = math.exp %neg3A_321 : vector<16xf32>
    %add3A_323 = arith.constant 1.000000e+00 : f32
    %add3A_324 = vector.broadcast %add3A_323 : f32 to vector<16xf32>
    %add3A_325 = arith.addf %add3A_324, %exp3A_322 : vector<16xf32>
    %div3A_326 = arith.constant 1.000000e+00 : f32
    %div3A_327 = vector.broadcast %div3A_326 : f32 to vector<16xf32>
    %div3A_328 = arith.divf %div3A_327, %add3A_325 : vector<16xf32>
    %swap3A_329 = arith.constant 160 : index
    %swap3A_330 = tpu.vector_load %arg12[%swap3A_329] {strides = array<i32>} : memref<512xf32, #tpu.memory_space<vmem>>, vector<16xf32>,
    tpu.vector_store %arg12[%swap3A_329], %div3A_328 {strides = array<i32>} : memref<512xf32, #tpu.memory_space<vmem>>, vector<16xf32>,
    %get3A_331 = arith.constant 176 : index
    %get3A_332 = tpu.vector_load %arg10[%get3A_331] {strides = array<i32>} : memref<1024xf32, #tpu.memory_space<vmem>>, vector<16xf32>,
    %get3A_333 = arith.constant 688 : index
    %get3A_334 = tpu.vector_load %arg10[%get3A_333] {strides = array<i32>} : memref<1024xf32, #tpu.memory_space<vmem>>, vector<16xf32>,
    %add3A_335 = arith.addf %get3A_332, %get3A_334 : vector<16xf32>
    %add3A_336 = arith.addf %add3A_335, %get3A_136 : vector<16xf32>
    %neg3A_337 = arith.constant 0.000000e+00 : f32
    %neg3A_338 = vector.broadcast %neg3A_337 : f32 to vector<16xf32>
    %neg3A_339 = arith.subf %neg3A_338, %add3A_336 : vector<16xf32>
    %exp3A_340 = math.exp %neg3A_339 : vector<16xf32>
    %add3A_341 = arith.constant 1.000000e+00 : f32
    %add3A_342 = vector.broadcast %add3A_341 : f32 to vector<16xf32>
    %add3A_343 = arith.addf %add3A_342, %exp3A_340 : vector<16xf32>
    %div3A_344 = arith.constant 1.000000e+00 : f32
    %div3A_345 = vector.broadcast %div3A_344 : f32 to vector<16xf32>
    %div3A_346 = arith.divf %div3A_345, %add3A_343 : vector<16xf32>
    %swap3A_347 = arith.constant 176 : index
    %swap3A_348 = tpu.vector_load %arg12[%swap3A_347] {strides = array<i32>} : memref<512xf32, #tpu.memory_space<vmem>>, vector<16xf32>,
    tpu.vector_store %arg12[%swap3A_347], %div3A_346 {strides = array<i32>} : memref<512xf32, #tpu.memory_space<vmem>>, vector<16xf32>,
    %get3A_349 = arith.constant 192 : index
    %get3A_350 = tpu.vector_load %arg10[%get3A_349] {strides = array<i32>} : memref<1024xf32, #tpu.memory_space<vmem>>, vector<16xf32>,
    %get3A_351 = arith.constant 704 : index
    %get3A_352 = tpu.vector_load %arg10[%get3A_351] {strides = array<i32>} : memref<1024xf32, #tpu.memory_space<vmem>>, vector<16xf32>,
    %add3A_353 = arith.addf %get3A_350, %get3A_352 : vector<16xf32>
    %add3A_354 = arith.addf %add3A_353, %get3A_136 : vector<16xf32>
    %neg3A_355 = arith.constant 0.000000e+00 : f32
    %neg3A_356 = vector.broadcast %neg3A_355 : f32 to vector<16xf32>
    %neg3A_357 = arith.subf %neg3A_356, %add3A_354 : vector<16xf32>
    %exp3A_358 = math.exp %neg3A_357 : vector<16xf32>
    %add3A_359 = arith.constant 1.000000e+00 : f32
    %add3A_360 = vector.broadcast %add3A_359 : f32 to vector<16xf32>
    %add3A_361 = arith.addf %add3A_360, %exp3A_358 : vector<16xf32>
    %div3A_362 = arith.constant 1.000000e+00 : f32
    %div3A_363 = vector.broadcast %div3A_362 : f32 to vector<16xf32>
    %div3A_364 = arith.divf %div3A_363, %add3A_361 : vector<16xf32>
    %swap3A_365 = arith.constant 192 : index
    %swap3A_366 = tpu.vector_load %arg12[%swap3A_365] {strides = array<i32>} : memref<512xf32, #tpu.memory_space<vmem>>, vector<16xf32>,
    tpu.vector_store %arg12[%swap3A_365], %div3A_364 {strides = array<i32>} : memref<512xf32, #tpu.memory_space<vmem>>, vector<16xf32>,
    %get3A_367 = arith.constant 208 : index
    %get3A_368 = tpu.vector_load %arg10[%get3A_367] {strides = array<i32>} : memref<1024xf32, #tpu.memory_space<vmem>>, vector<16xf32>,
    %get3A_369 = arith.constant 720 : index
    %get3A_370 = tpu.vector_load %arg10[%get3A_369] {strides = array<i32>} : memref<1024xf32, #tpu.memory_space<vmem>>, vector<16xf32>,
    %add3A_371 = arith.addf %get3A_368, %get3A_370 : vector<16xf32>
    %add3A_372 = arith.addf %add3A_371, %get3A_136 : vector<16xf32>
    %neg3A_373 = arith.constant 0.000000e+00 : f32
    %neg3A_374 = vector.broadcast %neg3A_373 : f32 to vector<16xf32>
    %neg3A_375 = arith.subf %neg3A_374, %add3A_372 : vector<16xf32>
    %exp3A_376 = math.exp %neg3A_375 : vector<16xf32>
    %add3A_377 = arith.constant 1.000000e+00 : f32
    %add3A_378 = vector.broadcast %add3A_377 : f32 to vector<16xf32>
    %add3A_379 = arith.addf %add3A_378, %exp3A_376 : vector<16xf32>
    %div3A_380 = arith.constant 1.000000e+00 : f32
    %div3A_381 = vector.broadcast %div3A_380 : f32 to vector<16xf32>
    %div3A_382 = arith.divf %div3A_381, %add3A_379 : vector<16xf32>
    %swap3A_383 = arith.constant 208 : index
    %swap3A_384 = tpu.vector_load %arg12[%swap3A_383] {strides = array<i32>} : memref<512xf32, #tpu.memory_space<vmem>>, vector<16xf32>,
    tpu.vector_store %arg12[%swap3A_383], %div3A_382 {strides = array<i32>} : memref<512xf32, #tpu.memory_space<vmem>>, vector<16xf32>,
    %get3A_385 = arith.constant 224 : index
    %get3A_386 = tpu.vector_load %arg10[%get3A_385] {strides = array<i32>} : memref<1024xf32, #tpu.memory_space<vmem>>, vector<16xf32>,
    %get3A_387 = arith.constant 736 : index
    %get3A_388 = tpu.vector_load %arg10[%get3A_387] {strides = array<i32>} : memref<1024xf32, #tpu.memory_space<vmem>>, vector<16xf32>,
    %add3A_389 = arith.addf %get3A_386, %get3A_388 : vector<16xf32>
    %add3A_390 = arith.addf %add3A_389, %get3A_136 : vector<16xf32>
    %neg3A_391 = arith.constant 0.000000e+00 : f32
    %neg3A_392 = vector.broadcast %neg3A_391 : f32 to vector<16xf32>
    %neg3A_393 = arith.subf %neg3A_392, %add3A_390 : vector<16xf32>
    %exp3A_394 = math.exp %neg3A_393 : vector<16xf32>
    %add3A_395 = arith.constant 1.000000e+00 : f32
    %add3A_396 = vector.broadcast %add3A_395 : f32 to vector<16xf32>
    %add3A_397 = arith.addf %add3A_396, %exp3A_394 : vector<16xf32>
    %div3A_398 = arith.constant 1.000000e+00 : f32
    %div3A_399 = vector.broadcast %div3A_398 : f32 to vector<16xf32>
    %div3A_400 = arith.divf %div3A_399, %add3A_397 : vector<16xf32>
    %swap3A_401 = arith.constant 224 : index
    %swap3A_402 = tpu.vector_load %arg12[%swap3A_401] {strides = array<i32>} : memref<512xf32, #tpu.memory_space<vmem>>, vector<16xf32>,
    tpu.vector_store %arg12[%swap3A_401], %div3A_400 {strides = array<i32>} : memref<512xf32, #tpu.memory_space<vmem>>, vector<16xf32>,
    %get3A_403 = arith.constant 240 : index
    %get3A_404 = tpu.vector_load %arg10[%get3A_403] {strides = array<i32>} : memref<1024xf32, #tpu.memory_space<vmem>>, vector<16xf32>,
    %get3A_405 = arith.constant 752 : index
    %get3A_406 = tpu.vector_load %arg10[%get3A_405] {strides = array<i32>} : memref<1024xf32, #tpu.memory_space<vmem>>, vector<16xf32>,
    %add3A_407 = arith.addf %get3A_404, %get3A_406 : vector<16xf32>
    %add3A_408 = arith.addf %add3A_407, %get3A_136 : vector<16xf32>
    %neg3A_409 = arith.constant 0.000000e+00 : f32
    %neg3A_410 = vector.broadcast %neg3A_409 : f32 to vector<16xf32>
    %neg3A_411 = arith.subf %neg3A_410, %add3A_408 : vector<16xf32>
    %exp3A_412 = math.exp %neg3A_411 : vector<16xf32>
    %add3A_413 = arith.constant 1.000000e+00 : f32
    %add3A_414 = vector.broadcast %add3A_413 : f32 to vector<16xf32>
    %add3A_415 = arith.addf %add3A_414, %exp3A_412 : vector<16xf32>
    %div3A_416 = arith.constant 1.000000e+00 : f32
    %div3A_417 = vector.broadcast %div3A_416 : f32 to vector<16xf32>
    %div3A_418 = arith.divf %div3A_417, %add3A_415 : vector<16xf32>
    %swap3A_419 = arith.constant 240 : index
    %swap3A_420 = tpu.vector_load %arg12[%swap3A_419] {strides = array<i32>} : memref<512xf32, #tpu.memory_space<vmem>>, vector<16xf32>,
    tpu.vector_store %arg12[%swap3A_419], %div3A_418 {strides = array<i32>} : memref<512xf32, #tpu.memory_space<vmem>>, vector<16xf32>,
    %get3A_421 = arith.constant 256 : index
    %get3A_422 = tpu.vector_load %arg10[%get3A_421] {strides = array<i32>} : memref<1024xf32, #tpu.memory_space<vmem>>, vector<16xf32>,
    %get3A_423 = arith.constant 768 : index
    %get3A_424 = tpu.vector_load %arg10[%get3A_423] {strides = array<i32>} : memref<1024xf32, #tpu.memory_space<vmem>>, vector<16xf32>,
    %add3A_425 = arith.addf %get3A_422, %get3A_424 : vector<16xf32>
    %add3A_426 = arith.addf %add3A_425, %get3A_136 : vector<16xf32>
    %neg3A_427 = arith.constant 0.000000e+00 : f32
    %neg3A_428 = vector.broadcast %neg3A_427 : f32 to vector<16xf32>
    %neg3A_429 = arith.subf %neg3A_428, %add3A_426 : vector<16xf32>
    %exp3A_430 = math.exp %neg3A_429 : vector<16xf32>
    %add3A_431 = arith.constant 1.000000e+00 : f32
    %add3A_432 = vector.broadcast %add3A_431 : f32 to vector<16xf32>
    %add3A_433 = arith.addf %add3A_432, %exp3A_430 : vector<16xf32>
    %div3A_434 = arith.constant 1.000000e+00 : f32
    %div3A_435 = vector.broadcast %div3A_434 : f32 to vector<16xf32>
    %div3A_436 = arith.divf %div3A_435, %add3A_433 : vector<16xf32>
    %swap3A_437 = arith.constant 256 : index
    %swap3A_438 = tpu.vector_load %arg12[%swap3A_437] {strides = array<i32>} : memref<512xf32, #tpu.memory_space<vmem>>, vector<16xf32>,
    tpu.vector_store %arg12[%swap3A_437], %div3A_436 {strides = array<i32>} : memref<512xf32, #tpu.memory_space<vmem>>, vector<16xf32>,
    %get3A_439 = arith.constant 272 : index
    %get3A_440 = tpu.vector_load %arg10[%get3A_439] {strides = array<i32>} : memref<1024xf32, #tpu.memory_space<vmem>>, vector<16xf32>,
    %get3A_441 = arith.constant 784 : index
    %get3A_442 = tpu.vector_load %arg10[%get3A_441] {strides = array<i32>} : memref<1024xf32, #tpu.memory_space<vmem>>, vector<16xf32>,
    %add3A_443 = arith.addf %get3A_440, %get3A_442 : vector<16xf32>
    %add3A_444 = arith.addf %add3A_443, %get3A_136 : vector<16xf32>
    %neg3A_445 = arith.constant 0.000000e+00 : f32
    %neg3A_446 = vector.broadcast %neg3A_445 : f32 to vector<16xf32>
    %neg3A_447 = arith.subf %neg3A_446, %add3A_444 : vector<16xf32>
    %exp3A_448 = math.exp %neg3A_447 : vector<16xf32>
    %add3A_449 = arith.constant 1.000000e+00 : f32
    %add3A_450 = vector.broadcast %add3A_449 : f32 to vector<16xf32>
    %add3A_451 = arith.addf %add3A_450, %exp3A_448 : vector<16xf32>
    %div3A_452 = arith.constant 1.000000e+00 : f32
    %div3A_453 = vector.broadcast %div3A_452 : f32 to vector<16xf32>
    %div3A_454 = arith.divf %div3A_453, %add3A_451 : vector<16xf32>
    %swap3A_455 = arith.constant 272 : index
    %swap3A_456 = tpu.vector_load %arg12[%swap3A_455] {strides = array<i32>} : memref<512xf32, #tpu.memory_space<vmem>>, vector<16xf32>,
    tpu.vector_store %arg12[%swap3A_455], %div3A_454 {strides = array<i32>} : memref<512xf32, #tpu.memory_space<vmem>>, vector<16xf32>,
    %get3A_457 = arith.constant 288 : index
    %get3A_458 = tpu.vector_load %arg10[%get3A_457] {strides = array<i32>} : memref<1024xf32, #tpu.memory_space<vmem>>, vector<16xf32>,
    %get3A_459 = arith.constant 800 : index
    %get3A_460 = tpu.vector_load %arg10[%get3A_459] {strides = array<i32>} : memref<1024xf32, #tpu.memory_space<vmem>>, vector<16xf32>,
    %add3A_461 = arith.addf %get3A_458, %get3A_460 : vector<16xf32>
    %add3A_462 = arith.addf %add3A_461, %get3A_136 : vector<16xf32>
    %neg3A_463 = arith.constant 0.000000e+00 : f32
    %neg3A_464 = vector.broadcast %neg3A_463 : f32 to vector<16xf32>
    %neg3A_465 = arith.subf %neg3A_464, %add3A_462 : vector<16xf32>
    %exp3A_466 = math.exp %neg3A_465 : vector<16xf32>
    %add3A_467 = arith.constant 1.000000e+00 : f32
    %add3A_468 = vector.broadcast %add3A_467 : f32 to vector<16xf32>
    %add3A_469 = arith.addf %add3A_468, %exp3A_466 : vector<16xf32>
    %div3A_470 = arith.constant 1.000000e+00 : f32
    %div3A_471 = vector.broadcast %div3A_470 : f32 to vector<16xf32>
    %div3A_472 = arith.divf %div3A_471, %add3A_469 : vector<16xf32>
    %swap3A_473 = arith.constant 288 : index
    %swap3A_474 = tpu.vector_load %arg12[%swap3A_473] {strides = array<i32>} : memref<512xf32, #tpu.memory_space<vmem>>, vector<16xf32>,
    tpu.vector_store %arg12[%swap3A_473], %div3A_472 {strides = array<i32>} : memref<512xf32, #tpu.memory_space<vmem>>, vector<16xf32>,
    %get3A_475 = arith.constant 304 : index
    %get3A_476 = tpu.vector_load %arg10[%get3A_475] {strides = array<i32>} : memref<1024xf32, #tpu.memory_space<vmem>>, vector<16xf32>,
    %get3A_477 = arith.constant 816 : index
    %get3A_478 = tpu.vector_load %arg10[%get3A_477] {strides = array<i32>} : memref<1024xf32, #tpu.memory_space<vmem>>, vector<16xf32>,
    %add3A_479 = arith.addf %get3A_476, %get3A_478 : vector<16xf32>
    %add3A_480 = arith.addf %add3A_479, %get3A_136 : vector<16xf32>
    %neg3A_481 = arith.constant 0.000000e+00 : f32
    %neg3A_482 = vector.broadcast %neg3A_481 : f32 to vector<16xf32>
    %neg3A_483 = arith.subf %neg3A_482, %add3A_480 : vector<16xf32>
    %exp3A_484 = math.exp %neg3A_483 : vector<16xf32>
    %add3A_485 = arith.constant 1.000000e+00 : f32
    %add3A_486 = vector.broadcast %add3A_485 : f32 to vector<16xf32>
    %add3A_487 = arith.addf %add3A_486, %exp3A_484 : vector<16xf32>
    %div3A_488 = arith.constant 1.000000e+00 : f32
    %div3A_489 = vector.broadcast %div3A_488 : f32 to vector<16xf32>
    %div3A_490 = arith.divf %div3A_489, %add3A_487 : vector<16xf32>
    %swap3A_491 = arith.constant 304 : index
    %swap3A_492 = tpu.vector_load %arg12[%swap3A_491] {strides = array<i32>} : memref<512xf32, #tpu.memory_space<vmem>>, vector<16xf32>,
    tpu.vector_store %arg12[%swap3A_491], %div3A_490 {strides = array<i32>} : memref<512xf32, #tpu.memory_space<vmem>>, vector<16xf32>,
    %get3A_493 = arith.constant 320 : index
    %get3A_494 = tpu.vector_load %arg10[%get3A_493] {strides = array<i32>} : memref<1024xf32, #tpu.memory_space<vmem>>, vector<16xf32>,
    %get3A_495 = arith.constant 832 : index
    %get3A_496 = tpu.vector_load %arg10[%get3A_495] {strides = array<i32>} : memref<1024xf32, #tpu.memory_space<vmem>>, vector<16xf32>,
    %add3A_497 = arith.addf %get3A_494, %get3A_496 : vector<16xf32>
    %add3A_498 = arith.addf %add3A_497, %get3A_136 : vector<16xf32>
    %neg3A_499 = arith.constant 0.000000e+00 : f32
    %neg3A_500 = vector.broadcast %neg3A_499 : f32 to vector<16xf32>
    %neg3A_501 = arith.subf %neg3A_500, %add3A_498 : vector<16xf32>
    %exp3A_502 = math.exp %neg3A_501 : vector<16xf32>
    %add3A_503 = arith.constant 1.000000e+00 : f32
    %add3A_504 = vector.broadcast %add3A_503 : f32 to vector<16xf32>
    %add3A_505 = arith.addf %add3A_504, %exp3A_502 : vector<16xf32>
    %div3A_506 = arith.constant 1.000000e+00 : f32
    %div3A_507 = vector.broadcast %div3A_506 : f32 to vector<16xf32>
    %div3A_508 = arith.divf %div3A_507, %add3A_505 : vector<16xf32>
    %swap3A_509 = arith.constant 320 : index
    %swap3A_510 = tpu.vector_load %arg12[%swap3A_509] {strides = array<i32>} : memref<512xf32, #tpu.memory_space<vmem>>, vector<16xf32>,
    tpu.vector_store %arg12[%swap3A_509], %div3A_508 {strides = array<i32>} : memref<512xf32, #tpu.memory_space<vmem>>, vector<16xf32>,
    %get3A_511 = arith.constant 336 : index
    %get3A_512 = tpu.vector_load %arg10[%get3A_511] {strides = array<i32>} : memref<1024xf32, #tpu.memory_space<vmem>>, vector<16xf32>,
    %get3A_513 = arith.constant 848 : index
    %get3A_514 = tpu.vector_load %arg10[%get3A_513] {strides = array<i32>} : memref<1024xf32, #tpu.memory_space<vmem>>, vector<16xf32>,
    %add3A_515 = arith.addf %get3A_512, %get3A_514 : vector<16xf32>
    %add3A_516 = arith.addf %add3A_515, %get3A_136 : vector<16xf32>
    %neg3A_517 = arith.constant 0.000000e+00 : f32
    %neg3A_518 = vector.broadcast %neg3A_517 : f32 to vector<16xf32>
    %neg3A_519 = arith.subf %neg3A_518, %add3A_516 : vector<16xf32>
    %exp3A_520 = math.exp %neg3A_519 : vector<16xf32>
    %add3A_521 = arith.constant 1.000000e+00 : f32
    %add3A_522 = vector.broadcast %add3A_521 : f32 to vector<16xf32>
    %add3A_523 = arith.addf %add3A_522, %exp3A_520 : vector<16xf32>
    %div3A_524 = arith.constant 1.000000e+00 : f32
    %div3A_525 = vector.broadcast %div3A_524 : f32 to vector<16xf32>
    %div3A_526 = arith.divf %div3A_525, %add3A_523 : vector<16xf32>
    %swap3A_527 = arith.constant 336 : index
    %swap3A_528 = tpu.vector_load %arg12[%swap3A_527] {strides = array<i32>} : memref<512xf32, #tpu.memory_space<vmem>>, vector<16xf32>,
    tpu.vector_store %arg12[%swap3A_527], %div3A_526 {strides = array<i32>} : memref<512xf32, #tpu.memory_space<vmem>>, vector<16xf32>,
    %get3A_529 = arith.constant 352 : index
    %get3A_530 = tpu.vector_load %arg10[%get3A_529] {strides = array<i32>} : memref<1024xf32, #tpu.memory_space<vmem>>, vector<16xf32>,
    %get3A_531 = arith.constant 864 : index
    %get3A_532 = tpu.vector_load %arg10[%get3A_531] {strides = array<i32>} : memref<1024xf32, #tpu.memory_space<vmem>>, vector<16xf32>,
    %add3A_533 = arith.addf %get3A_530, %get3A_532 : vector<16xf32>
    %add3A_534 = arith.addf %add3A_533, %get3A_136 : vector<16xf32>
    %neg3A_535 = arith.constant 0.000000e+00 : f32
    %neg3A_536 = vector.broadcast %neg3A_535 : f32 to vector<16xf32>
    %neg3A_537 = arith.subf %neg3A_536, %add3A_534 : vector<16xf32>
    %exp3A_538 = math.exp %neg3A_537 : vector<16xf32>
    %add3A_539 = arith.constant 1.000000e+00 : f32
    %add3A_540 = vector.broadcast %add3A_539 : f32 to vector<16xf32>
    %add3A_541 = arith.addf %add3A_540, %exp3A_538 : vector<16xf32>
    %div3A_542 = arith.constant 1.000000e+00 : f32
    %div3A_543 = vector.broadcast %div3A_542 : f32 to vector<16xf32>
    %div3A_544 = arith.divf %div3A_543, %add3A_541 : vector<16xf32>
    %swap3A_545 = arith.constant 352 : index
    %swap3A_546 = tpu.vector_load %arg12[%swap3A_545] {strides = array<i32>} : memref<512xf32, #tpu.memory_space<vmem>>, vector<16xf32>,
    tpu.vector_store %arg12[%swap3A_545], %div3A_544 {strides = array<i32>} : memref<512xf32, #tpu.memory_space<vmem>>, vector<16xf32>,
    %get3A_547 = arith.constant 368 : index
    %get3A_548 = tpu.vector_load %arg10[%get3A_547] {strides = array<i32>} : memref<1024xf32, #tpu.memory_space<vmem>>, vector<16xf32>,
    %get3A_549 = arith.constant 880 : index
    %get3A_550 = tpu.vector_load %arg10[%get3A_549] {strides = array<i32>} : memref<1024xf32, #tpu.memory_space<vmem>>, vector<16xf32>,
    %add3A_551 = arith.addf %get3A_548, %get3A_550 : vector<16xf32>
    %add3A_552 = arith.addf %add3A_551, %get3A_136 : vector<16xf32>
    %neg3A_553 = arith.constant 0.000000e+00 : f32
    %neg3A_554 = vector.broadcast %neg3A_553 : f32 to vector<16xf32>
    %neg3A_555 = arith.subf %neg3A_554, %add3A_552 : vector<16xf32>
    %exp3A_556 = math.exp %neg3A_555 : vector<16xf32>
    %add3A_557 = arith.constant 1.000000e+00 : f32
    %add3A_558 = vector.broadcast %add3A_557 : f32 to vector<16xf32>
    %add3A_559 = arith.addf %add3A_558, %exp3A_556 : vector<16xf32>
    %div3A_560 = arith.constant 1.000000e+00 : f32
    %div3A_561 = vector.broadcast %div3A_560 : f32 to vector<16xf32>
    %div3A_562 = arith.divf %div3A_561, %add3A_559 : vector<16xf32>
    %swap3A_563 = arith.constant 368 : index
    %swap3A_564 = tpu.vector_load %arg12[%swap3A_563] {strides = array<i32>} : memref<512xf32, #tpu.memory_space<vmem>>, vector<16xf32>,
    tpu.vector_store %arg12[%swap3A_563], %div3A_562 {strides = array<i32>} : memref<512xf32, #tpu.memory_space<vmem>>, vector<16xf32>,
    %get3A_565 = arith.constant 384 : index
    %get3A_566 = tpu.vector_load %arg10[%get3A_565] {strides = array<i32>} : memref<1024xf32, #tpu.memory_space<vmem>>, vector<16xf32>,
    %get3A_567 = arith.constant 896 : index
    %get3A_568 = tpu.vector_load %arg10[%get3A_567] {strides = array<i32>} : memref<1024xf32, #tpu.memory_space<vmem>>, vector<16xf32>,
    %add3A_569 = arith.addf %get3A_566, %get3A_568 : vector<16xf32>
    %add3A_570 = arith.addf %add3A_569, %get3A_136 : vector<16xf32>
    %neg3A_571 = arith.constant 0.000000e+00 : f32
    %neg3A_572 = vector.broadcast %neg3A_571 : f32 to vector<16xf32>
    %neg3A_573 = arith.subf %neg3A_572, %add3A_570 : vector<16xf32>
    %exp3A_574 = math.exp %neg3A_573 : vector<16xf32>
    %add3A_575 = arith.constant 1.000000e+00 : f32
    %add3A_576 = vector.broadcast %add3A_575 : f32 to vector<16xf32>
    %add3A_577 = arith.addf %add3A_576, %exp3A_574 : vector<16xf32>
    %div3A_578 = arith.constant 1.000000e+00 : f32
    %div3A_579 = vector.broadcast %div3A_578 : f32 to vector<16xf32>
    %div3A_580 = arith.divf %div3A_579, %add3A_577 : vector<16xf32>
    %swap3A_581 = arith.constant 384 : index
    %swap3A_582 = tpu.vector_load %arg12[%swap3A_581] {strides = array<i32>} : memref<512xf32, #tpu.memory_space<vmem>>, vector<16xf32>,
    tpu.vector_store %arg12[%swap3A_581], %div3A_580 {strides = array<i32>} : memref<512xf32, #tpu.memory_space<vmem>>, vector<16xf32>,
    %get3A_583 = arith.constant 400 : index
    %get3A_584 = tpu.vector_load %arg10[%get3A_583] {strides = array<i32>} : memref<1024xf32, #tpu.memory_space<vmem>>, vector<16xf32>,
    %get3A_585 = arith.constant 912 : index
    %get3A_586 = tpu.vector_load %arg10[%get3A_585] {strides = array<i32>} : memref<1024xf32, #tpu.memory_space<vmem>>, vector<16xf32>,
    %add3A_587 = arith.addf %get3A_584, %get3A_586 : vector<16xf32>
    %add3A_588 = arith.addf %add3A_587, %get3A_136 : vector<16xf32>
    %neg3A_589 = arith.constant 0.000000e+00 : f32
    %neg3A_590 = vector.broadcast %neg3A_589 : f32 to vector<16xf32>
    %neg3A_591 = arith.subf %neg3A_590, %add3A_588 : vector<16xf32>
    %exp3A_592 = math.exp %neg3A_591 : vector<16xf32>
    %add3A_593 = arith.constant 1.000000e+00 : f32
    %add3A_594 = vector.broadcast %add3A_593 : f32 to vector<16xf32>
    %add3A_595 = arith.addf %add3A_594, %exp3A_592 : vector<16xf32>
    %div3A_596 = arith.constant 1.000000e+00 : f32
    %div3A_597 = vector.broadcast %div3A_596 : f32 to vector<16xf32>
    %div3A_598 = arith.divf %div3A_597, %add3A_595 : vector<16xf32>
    %swap3A_599 = arith.constant 400 : index
    %swap3A_600 = tpu.vector_load %arg12[%swap3A_599] {strides = array<i32>} : memref<512xf32, #tpu.memory_space<vmem>>, vector<16xf32>,
    tpu.vector_store %arg12[%swap3A_599], %div3A_598 {strides = array<i32>} : memref<512xf32, #tpu.memory_space<vmem>>, vector<16xf32>,
    %get3A_601 = arith.constant 416 : index
    %get3A_602 = tpu.vector_load %arg10[%get3A_601] {strides = array<i32>} : memref<1024xf32, #tpu.memory_space<vmem>>, vector<16xf32>,
    %get3A_603 = arith.constant 928 : index
    %get3A_604 = tpu.vector_load %arg10[%get3A_603] {strides = array<i32>} : memref<1024xf32, #tpu.memory_space<vmem>>, vector<16xf32>,
    %add3A_605 = arith.addf %get3A_602, %get3A_604 : vector<16xf32>
    %add3A_606 = arith.addf %add3A_605, %get3A_136 : vector<16xf32>
    %neg3A_607 = arith.constant 0.000000e+00 : f32
    %neg3A_608 = vector.broadcast %neg3A_607 : f32 to vector<16xf32>
    %neg3A_609 = arith.subf %neg3A_608, %add3A_606 : vector<16xf32>
    %exp3A_610 = math.exp %neg3A_609 : vector<16xf32>
    %add3A_611 = arith.constant 1.000000e+00 : f32
    %add3A_612 = vector.broadcast %add3A_611 : f32 to vector<16xf32>
    %add3A_613 = arith.addf %add3A_612, %exp3A_610 : vector<16xf32>
    %div3A_614 = arith.constant 1.000000e+00 : f32
    %div3A_615 = vector.broadcast %div3A_614 : f32 to vector<16xf32>
    %div3A_616 = arith.divf %div3A_615, %add3A_613 : vector<16xf32>
    %swap3A_617 = arith.constant 416 : index
    %swap3A_618 = tpu.vector_load %arg12[%swap3A_617] {strides = array<i32>} : memref<512xf32, #tpu.memory_space<vmem>>, vector<16xf32>,
    tpu.vector_store %arg12[%swap3A_617], %div3A_616 {strides = array<i32>} : memref<512xf32, #tpu.memory_space<vmem>>, vector<16xf32>,
    %get3A_619 = arith.constant 432 : index
    %get3A_620 = tpu.vector_load %arg10[%get3A_619] {strides = array<i32>} : memref<1024xf32, #tpu.memory_space<vmem>>, vector<16xf32>,
    %get3A_621 = arith.constant 944 : index
    %get3A_622 = tpu.vector_load %arg10[%get3A_621] {strides = array<i32>} : memref<1024xf32, #tpu.memory_space<vmem>>, vector<16xf32>,
    %add3A_623 = arith.addf %get3A_620, %get3A_622 : vector<16xf32>
    %add3A_624 = arith.addf %add3A_623, %get3A_136 : vector<16xf32>
    %neg3A_625 = arith.constant 0.000000e+00 : f32
    %neg3A_626 = vector.broadcast %neg3A_625 : f32 to vector<16xf32>
    %neg3A_627 = arith.subf %neg3A_626, %add3A_624 : vector<16xf32>
    %exp3A_628 = math.exp %neg3A_627 : vector<16xf32>
    %add3A_629 = arith.constant 1.000000e+00 : f32
    %add3A_630 = vector.broadcast %add3A_629 : f32 to vector<16xf32>
    %add3A_631 = arith.addf %add3A_630, %exp3A_628 : vector<16xf32>
    %div3A_632 = arith.constant 1.000000e+00 : f32
    %div3A_633 = vector.broadcast %div3A_632 : f32 to vector<16xf32>
    %div3A_634 = arith.divf %div3A_633, %add3A_631 : vector<16xf32>
    %swap3A_635 = arith.constant 432 : index
    %swap3A_636 = tpu.vector_load %arg12[%swap3A_635] {strides = array<i32>} : memref<512xf32, #tpu.memory_space<vmem>>, vector<16xf32>,
    tpu.vector_store %arg12[%swap3A_635], %div3A_634 {strides = array<i32>} : memref<512xf32, #tpu.memory_space<vmem>>, vector<16xf32>,
    %get3A_637 = arith.constant 448 : index
    %get3A_638 = tpu.vector_load %arg10[%get3A_637] {strides = array<i32>} : memref<1024xf32, #tpu.memory_space<vmem>>, vector<16xf32>,
    %get3A_639 = arith.constant 960 : index
    %get3A_640 = tpu.vector_load %arg10[%get3A_639] {strides = array<i32>} : memref<1024xf32, #tpu.memory_space<vmem>>, vector<16xf32>,
    %add3A_641 = arith.addf %get3A_638, %get3A_640 : vector<16xf32>
    %add3A_642 = arith.addf %add3A_641, %get3A_136 : vector<16xf32>
    %neg3A_643 = arith.constant 0.000000e+00 : f32
    %neg3A_644 = vector.broadcast %neg3A_643 : f32 to vector<16xf32>
    %neg3A_645 = arith.subf %neg3A_644, %add3A_642 : vector<16xf32>
    %exp3A_646 = math.exp %neg3A_645 : vector<16xf32>
    %add3A_647 = arith.constant 1.000000e+00 : f32
    %add3A_648 = vector.broadcast %add3A_647 : f32 to vector<16xf32>
    %add3A_649 = arith.addf %add3A_648, %exp3A_646 : vector<16xf32>
    %div3A_650 = arith.constant 1.000000e+00 : f32
    %div3A_651 = vector.broadcast %div3A_650 : f32 to vector<16xf32>
    %div3A_652 = arith.divf %div3A_651, %add3A_649 : vector<16xf32>
    %swap3A_653 = arith.constant 448 : index
    %swap3A_654 = tpu.vector_load %arg12[%swap3A_653] {strides = array<i32>} : memref<512xf32, #tpu.memory_space<vmem>>, vector<16xf32>,
    tpu.vector_store %arg12[%swap3A_653], %div3A_652 {strides = array<i32>} : memref<512xf32, #tpu.memory_space<vmem>>, vector<16xf32>,
    %get3A_655 = arith.constant 464 : index
    %get3A_656 = tpu.vector_load %arg10[%get3A_655] {strides = array<i32>} : memref<1024xf32, #tpu.memory_space<vmem>>, vector<16xf32>,
    %get3A_657 = arith.constant 976 : index
    %get3A_658 = tpu.vector_load %arg10[%get3A_657] {strides = array<i32>} : memref<1024xf32, #tpu.memory_space<vmem>>, vector<16xf32>,
    %add3A_659 = arith.addf %get3A_656, %get3A_658 : vector<16xf32>
    %add3A_660 = arith.addf %add3A_659, %get3A_136 : vector<16xf32>
    %neg3A_661 = arith.constant 0.000000e+00 : f32
    %neg3A_662 = vector.broadcast %neg3A_661 : f32 to vector<16xf32>
    %neg3A_663 = arith.subf %neg3A_662, %add3A_660 : vector<16xf32>
    %exp3A_664 = math.exp %neg3A_663 : vector<16xf32>
    %add3A_665 = arith.constant 1.000000e+00 : f32
    %add3A_666 = vector.broadcast %add3A_665 : f32 to vector<16xf32>
    %add3A_667 = arith.addf %add3A_666, %exp3A_664 : vector<16xf32>
    %div3A_668 = arith.constant 1.000000e+00 : f32
    %div3A_669 = vector.broadcast %div3A_668 : f32 to vector<16xf32>
    %div3A_670 = arith.divf %div3A_669, %add3A_667 : vector<16xf32>
    %swap3A_671 = arith.constant 464 : index
    %swap3A_672 = tpu.vector_load %arg12[%swap3A_671] {strides = array<i32>} : memref<512xf32, #tpu.memory_space<vmem>>, vector<16xf32>,
    tpu.vector_store %arg12[%swap3A_671], %div3A_670 {strides = array<i32>} : memref<512xf32, #tpu.memory_space<vmem>>, vector<16xf32>,
    %get3A_673 = arith.constant 480 : index
    %get3A_674 = tpu.vector_load %arg10[%get3A_673] {strides = array<i32>} : memref<1024xf32, #tpu.memory_space<vmem>>, vector<16xf32>,
    %get3A_675 = arith.constant 992 : index
    %get3A_676 = tpu.vector_load %arg10[%get3A_675] {strides = array<i32>} : memref<1024xf32, #tpu.memory_space<vmem>>, vector<16xf32>,
    %add3A_677 = arith.addf %get3A_674, %get3A_676 : vector<16xf32>
    %add3A_678 = arith.addf %add3A_677, %get3A_136 : vector<16xf32>
    %neg3A_679 = arith.constant 0.000000e+00 : f32
    %neg3A_680 = vector.broadcast %neg3A_679 : f32 to vector<16xf32>
    %neg3A_681 = arith.subf %neg3A_680, %add3A_678 : vector<16xf32>
    %exp3A_682 = math.exp %neg3A_681 : vector<16xf32>
    %add3A_683 = arith.constant 1.000000e+00 : f32
    %add3A_684 = vector.broadcast %add3A_683 : f32 to vector<16xf32>
    %add3A_685 = arith.addf %add3A_684, %exp3A_682 : vector<16xf32>
    %div3A_686 = arith.constant 1.000000e+00 : f32
    %div3A_687 = vector.broadcast %div3A_686 : f32 to vector<16xf32>
    %div3A_688 = arith.divf %div3A_687, %add3A_685 : vector<16xf32>
    %swap3A_689 = arith.constant 480 : index
    %swap3A_690 = tpu.vector_load %arg12[%swap3A_689] {strides = array<i32>} : memref<512xf32, #tpu.memory_space<vmem>>, vector<16xf32>,
    tpu.vector_store %arg12[%swap3A_689], %div3A_688 {strides = array<i32>} : memref<512xf32, #tpu.memory_space<vmem>>, vector<16xf32>,
    %get3A_691 = arith.constant 496 : index
    %get3A_692 = tpu.vector_load %arg10[%get3A_691] {strides = array<i32>} : memref<1024xf32, #tpu.memory_space<vmem>>, vector<16xf32>,
    %get3A_693 = arith.constant 1008 : index
    %get3A_694 = tpu.vector_load %arg10[%get3A_693] {strides = array<i32>} : memref<1024xf32, #tpu.memory_space<vmem>>, vector<16xf32>,
    %add3A_695 = arith.addf %get3A_692, %get3A_694 : vector<16xf32>
    %add3A_696 = arith.addf %add3A_695, %get3A_136 : vector<16xf32>
    %neg3A_697 = arith.constant 0.000000e+00 : f32
    %neg3A_698 = vector.broadcast %neg3A_697 : f32 to vector<16xf32>
    %neg3A_699 = arith.subf %neg3A_698, %add3A_696 : vector<16xf32>
    %exp3A_700 = math.exp %neg3A_699 : vector<16xf32>
    %add3A_701 = arith.constant 1.000000e+00 : f32
    %add3A_702 = vector.broadcast %add3A_701 : f32 to vector<16xf32>
    %add3A_703 = arith.addf %add3A_702, %exp3A_700 : vector<16xf32>
    %div3A_704 = arith.constant 1.000000e+00 : f32
    %div3A_705 = vector.broadcast %div3A_704 : f32 to vector<16xf32>
    %div3A_706 = arith.divf %div3A_705, %add3A_703 : vector<16xf32>
    %swap3A_707 = arith.constant 496 : index
    %swap3A_708 = tpu.vector_load %arg12[%swap3A_707] {strides = array<i32>} : memref<512xf32, #tpu.memory_space<vmem>>, vector<16xf32>,
    tpu.vector_store %arg12[%swap3A_707], %div3A_706 {strides = array<i32>} : memref<512xf32, #tpu.memory_space<vmem>>, vector<16xf32>,
    "tpu.region"() ({
      %run_scoped3A = tpu.sem_alloc : memref<!tpu.dma_semaphore, #tpu.memory_space<semaphore_mem>>
      %dma_start3A_709 = tpu.memref_slice %arg6[%mul3A_2] : memref<16384xf32, #tpu.memory_space<hbm>> -> memref<512xf32, #tpu.memory_space<hbm>>
      %dma_start3A_710 = tpu.memref_slice %arg6[%mul3A_2] : memref<16384xf32, #tpu.memory_space<hbm>> -> memref<512xf32, #tpu.memory_space<hbm>>
      tpu.enqueue_dma source(%arg12 : memref<512xf32, #tpu.memory_space<vmem>>) target(%dma_start3A_710 : memref<512xf32, #tpu.memory_space<hbm>>) target_semaphore(%run_scoped3A : memref<!tpu.dma_semaphore, #tpu.memory_space<semaphore_mem>>)
      %dma_wait3A_711 = tpu.memref_slice %arg6[%mul3A_2] : memref<16384xf32, #tpu.memory_space<hbm>> -> memref<512xf32, #tpu.memory_space<hbm>>
      %dma_wait3A_712 = tpu.memref_slice %arg6[%mul3A_2] : memref<16384xf32, #tpu.memory_space<hbm>> -> memref<512xf32, #tpu.memory_space<hbm>>
      tpu.wait_dma2 semaphore(%run_scoped3A : memref<!tpu.dma_semaphore, #tpu.memory_space<semaphore_mem>>) src(%arg12 : memref<512xf32, #tpu.memory_space<vmem>>) dst(%dma_wait3A_712 : memref<512xf32, #tpu.memory_space<hbm>>)
      tpu.yield
    }) : () -> ()
    return
  }
}

module attributes {stable_mosaic.version = 14 : i64} {
  func.func @_scores_body(%arg0: i32, %arg1: memref<64x16384xf32, #tpu.memory_space<vmem>>, %arg2: memref<64x16384xf32, #tpu.memory_space<vmem>>, %arg3: memref<64x1xf32, #tpu.memory_space<vmem>>, %arg4: memref<64x1xf32, #tpu.memory_space<vmem>>, %arg5: memref<16384xf32, #tpu.memory_space<vmem>>, %arg6: memref<16384xf32, #tpu.memory_space<vmem>>) attributes {dimension_semantics = [#tpu.dimension_semantics<arbitrary>], iteration_bounds = array<i64: 62>, scalar_prefetch = 0 : i64, scratch_operands = 0 : i64, tpu.core_type = #tpu.core_type<tc>, window_params = [{transform_indices = @transform_0, window_bounds = array<i64: 64, 16384>}, {transform_indices = @transform_1, window_bounds = array<i64: 64, 16384>}, {pipeline_mode = #tpu.pipeline_mode<synchronous>, transform_indices = @transform_2, window_bounds = array<i64: 64, 1>}, {pipeline_mode = #tpu.pipeline_mode<synchronous>, transform_indices = @transform_3, window_bounds = array<i64: 64, 1>}, {transform_indices = @transform_4, window_bounds = array<i64: 16384>}, {transform_indices = @transform_5, window_bounds = array<i64: 16384>}]} {
    %get3A = arith.constant 0 : index
    %get3A_0 = arith.constant 0 : index
    %get3A_1 = vector.load %arg1[%get3A, %get3A_0] : memref<64x16384xf32, #tpu.memory_space<vmem>>, vector<64x16384xf32>
    %get3A_2 = arith.constant 0 : index
    %get3A_3 = arith.constant 0 : index
    %get3A_4 = vector.load %arg3[%get3A_2, %get3A_3] : memref<64x1xf32, #tpu.memory_space<vmem>>, vector<64x1xf32>
    %mul3A = vector.broadcast %get3A_4 : vector<64x1xf32> to vector<64x16384xf32>
    %mul3A_5 = arith.mulf %get3A_1, %mul3A : vector<64x16384xf32>
    %reduce_sum3A = arith.constant dense<0.000000e+00> : vector<16384xf32>
    %reduce_sum3A_6 = vector.multi_reduction <add>, %mul3A_5, %reduce_sum3A [0] : vector<64x16384xf32> to vector<16384xf32>
    %swap3A = arith.constant 0 : index
    %swap3A_7 = vector.load %arg5[%swap3A] : memref<16384xf32, #tpu.memory_space<vmem>>, vector<16384xf32>
    tpu.vector_store %arg5[%swap3A], %reduce_sum3A_6 {strides = array<i32>} : memref<16384xf32, #tpu.memory_space<vmem>>, vector<16384xf32>,
    %get3A_8 = arith.constant 0 : index
    %get3A_9 = arith.constant 0 : index
    %get3A_10 = vector.load %arg2[%get3A_8, %get3A_9] : memref<64x16384xf32, #tpu.memory_space<vmem>>, vector<64x16384xf32>
    %get3A_11 = arith.constant 0 : index
    %get3A_12 = arith.constant 0 : index
    %get3A_13 = vector.load %arg4[%get3A_11, %get3A_12] : memref<64x1xf32, #tpu.memory_space<vmem>>, vector<64x1xf32>
    %mul3A_14 = vector.broadcast %get3A_13 : vector<64x1xf32> to vector<64x16384xf32>
    %mul3A_15 = arith.mulf %get3A_10, %mul3A_14 : vector<64x16384xf32>
    %reduce_sum3A_16 = arith.constant dense<0.000000e+00> : vector<16384xf32>
    %reduce_sum3A_17 = vector.multi_reduction <add>, %mul3A_15, %reduce_sum3A_16 [0] : vector<64x16384xf32> to vector<16384xf32>
    %swap3A_18 = arith.constant 0 : index
    %swap3A_19 = vector.load %arg6[%swap3A_18] : memref<16384xf32, #tpu.memory_space<vmem>>, vector<16384xf32>
    tpu.vector_store %arg6[%swap3A_18], %reduce_sum3A_17 {strides = array<i32>} : memref<16384xf32, #tpu.memory_space<vmem>>, vector<16384xf32>,
    return
  }
  func.func @transform_0(%arg0: i32) -> (i32, i32) {
    %c0_i32 = arith.constant 0 : i32
    %c0_i32_0 = arith.constant 0 : i32
    return %c0_i32, %arg0 : i32, i32
  }
  func.func @transform_1(%arg0: i32) -> (i32, i32) {
    %c0_i32 = arith.constant 0 : i32
    %c0_i32_0 = arith.constant 0 : i32
    return %c0_i32, %arg0 : i32, i32
  }
  func.func @transform_2(%arg0: i32) -> (i32, i32) {
    %c0_i32 = arith.constant 0 : i32
    %c0_i32_0 = arith.constant 0 : i32
    %c0_i32_1 = arith.constant 0 : i32
    return %c0_i32, %c0_i32_0 : i32, i32
  }
  func.func @transform_3(%arg0: i32) -> (i32, i32) {
    %c0_i32 = arith.constant 0 : i32
    %c0_i32_0 = arith.constant 0 : i32
    %c0_i32_1 = arith.constant 0 : i32
    return %c0_i32, %c0_i32_0 : i32, i32
  }
  func.func @transform_4(%arg0: i32) -> i32 {
    %c0_i32 = arith.constant 0 : i32
    return %arg0 : i32
  }
  func.func @transform_5(%arg0: i32) -> i32 {
    %c0_i32 = arith.constant 0 : i32
    return %arg0 : i32
  }
}

</mosaic_0001>

<sc_bundles>
// kernel: kernel.4.cloned.1.call-start
scs
__scs_entry_jumppad:
0x0: {  	(pc) =	sbr.rel $0x88, $3  }
0x1: {  	(tag) =	ssettag $0x0;
	lr =	simm.s32 $0x1  }
0x2: {  	[smem:$0x3F9C] =	sst lr;
	_ =	strace $0xD0000000  }
0x3: {  	_ = 	snop  }
0x4: {  	_ = 	snop  }
0x5: {  	_ = 	snop  }
0x6: {  	_ = 	snop  }
0x7: {  	_ = 	snop  }
__scs_overlays_trampoline_lowered:
0x8: {  	[smem:$0x3FAB] =	sst s0  }
0x9: {  	[smem:$0x3FAC] =	sst s1  }
0xa: {  	[smem:$0x3FAD] =	sst s2  }
0xb: {  	[smem:$0x3FAE] =	sst s3  }
0xc: {  	[smem:$0x3FAF] =	sst s4  }
0xd: {  	[smem:$0x3FB0] =	sst s5  }
0xe: {  	[smem:$0x3FB1] =	sst s6  }
0xf: {  	[smem:$0x3FB2] =	sst s7  }
0x10: {  	[smem:$0x3FB3] =	sst s8  }
0x11: {  	[smem:$0x3FB4] =	sst s9;
	s0 =	simm.s32 @!p0 $0x0  }
0x12: {  	s1 =	sld [smem:$0x3F9A];
	s0 =	simm.s32 @p0 $0x1  }
0x13: {  	[smem:$0x3FB5] =	sst s0;
	s0 =	simm.s32 @!p1 $0x0  }
0x14: {  	s2 =	sld [smem:$0x3F99];
	s0 =	simm.s32 @p1 $0x1  }
0x15: {  	[smem:$0x3FB6] =	sst s0;
	s0 =	simm.s32 @!p2 $0x0  }
0x16: {  	s3 =	sld [smem:$0x3FDB];
	s0 =	simm.s32 @p2 $0x1  }
0x17: {  	s4 =	simm.s32 $0x1BF5;
	[smem:$0x3FB8] =	sst s0  }
0x18: {  	s0 =	sld [smem:$0x3F9B];
	_ =	swait.ge [sflag:s4], $0x0  }
0x19: {  	s7 =	sld [smem:$0x3F9C]  }
0x1a: {  	s8 =	sadd.s32 $0xFFFFE003, lr  }
0x1b: {  	s9 =	sadd.s32 $0xFFFFFEF7, lr;
	s5 =	simm.s32 $0xFFFFFFFF;
	p2 =	slt.u32 s8, $0xFFFFF086  }
0x1c: {  	p1 =	slt.u32 s9, $0xF7A;
	s5 =	simm.s32 @!p2 $0x0  }
0x1d: {  	s5 =	simm.s32 @p1 $0x1;
	p0 =	seq.s32 s7, s2  }
0x1e: {  	s7 =	smul.u32 @!p0 $0xF7A, s2;
	p2 =	seq.s32 @!p0 s5, $0x0  }
0x1f: {  	s9 =	smul.u32 $0xF7A, s1;
	s8 =	simm.s32 @!p0 $0x1BF5;
	p2 =	por !p2, p0  }
0x20: {  	[sflag:s8] =	ssyncset.s32 @!p0 $0xFFFFF086;
	s6 =	sadd.s32 @!p0 s3, s7;
	s7 =	simm.s32 @!p0 $0x108  }
0x21: {  	s3 =	sadd.s32 s3, s9;
	s6 =	sadd.s32 @!p0 $0x88, s6;
	s7 =	simm.s32 @p2 $0x1082  }
0x22: {  	[simem:s7], [sflag:s8] =	dma.local @!p0 [hbm:s6], $0xF7A  }
0x23: {  	s9 =	sor.u32 $0xD0000000, s2;
	s6 =	simm.s32 $0x108;
	_ =	swait.ge @!p0 [sflag:s8], $0x0  }
0x24: {  	s3 =	sadd.s32 $0x88, s3;
	s6 =	simm.s32 @!p1 $0x1082;
	[sflag:s4] =	ssyncset.s32 $0xFFFFF086  }
0x25: {  	[simem:s6], [sflag:s4] =	dma.local [hbm:s3], $0xF7A  }
0x26: {  	[smem:$0x3F9C] =	sst s1;
	(tag) =	ssettag s2;
	_ =	strace s9  }
0x27: {  	s1 =	sld [smem:$0x3FAC]  }
0x28: {  	s2 =	sld [smem:$0x3FAD]  }
0x29: {  	s4 =	sld [smem:$0x3FAF]  }
0x2a: {  	p0 =	seq.s32 s5, $0x0;
	s5 =	sld [smem:$0x3FB0]  }
0x2b: {  	s6 =	sld [smem:$0x3FB1]  }
0x2c: {  	s7 =	sld [smem:$0x3FB2]  }
0x2d: {  	s3 =	simm.s32 $0x108;
	s8 =	sld [smem:$0x3FB3]  }
0x2e: {  	s3 =	simm.s32 @!p0 $0x1082;
	s9 =	sld [smem:$0x3FB4]  }
0x2f: {  	lr =	sadd.s32 s0, s3;
	s0 =	sld [smem:$0x3FAB]  }
0x30: {  	s3 =	sld [smem:$0x3FAE]  }
0x31: {  	[smem:$0x3FB7] =	sst s10  }
0x32: {  	s10 =	sld [smem:$0x3FB5];
	_ =	sdelay $0x3  }
0x33: {  	p0 =	seq.s32 s10, $0x1;
	s10 =	sld [smem:$0x3FB7];
	_ =	sdelay $0x3  }
0x34: {  	[smem:$0x3FB7] =	sst s10  }
0x35: {  	s10 =	sld [smem:$0x3FB6];
	_ =	sdelay $0x3  }
0x36: {  	p1 =	seq.s32 s10, $0x1;
	s10 =	sld [smem:$0x3FB7];
	_ =	sdelay $0x3  }
0x37: {  	[smem:$0x3FB7] =	sst s10  }
0x38: {  	s10 =	sld [smem:$0x3FB8]  }
0x39: {  	_ = 	snop;
	(pc) =	sbr.ind lr, $3  }
0x3a: {  	_ = 	snop  }
0x3b: {  	_ = 	snop  }
0x3c: {  	p2 =	seq.s32 s10, $0x1;
	s10 =	sld [smem:$0x3FB7]  }
0x3d: {  	_ =	shalt  }
0x3e: {  	_ =	shalt  }
0x3f: {  	_ =	shalt  }
0x40: {  	_ =	shalt  }
0x41: {  	_ =	shalt  }
0x42: {  	_ =	shalt  }
0x43: {  	_ =	shalt  }
0x44: {  	_ =	shalt  }
0x45: {  	_ =	shalt  }
0x46: {  	_ =	shalt  }
0x47: {  	_ =	shalt  }
0x48: {  	_ =	shalt  }
0x49: {  	_ =	shalt  }
0x4a: {  	_ =	shalt  }
0x4b: {  	_ =	shalt  }
0x4c: {  	_ =	shalt  }
0x4d: {  	_ =	shalt  }
0x4e: {  	_ =	shalt  }
0x4f: {  	_ =	shalt  }
0x50: {  	_ =	shalt  }
0x51: {  	_ =	shalt  }
0x52: {  	_ =	shalt  }
0x53: {  	_ =	shalt  }
0x54: {  	_ =	shalt  }
0x55: {  	_ =	shalt  }
0x56: {  	_ =	shalt  }
0x57: {  	_ =	shalt  }
0x58: {  	_ =	shalt  }
0x59: {  	_ =	shalt  }
0x5a: {  	_ =	shalt  }
0x5b: {  	_ =	shalt  }
0x5c: {  	_ =	shalt  }
0x5d: {  	_ =	shalt  }
0x5e: {  	_ =	shalt  }
0x5f: {  	_ =	shalt  }
0x60: {  	_ =	shalt  }
0x61: {  	_ =	shalt  }
0x62: {  	_ =	shalt  }
0x63: {  	_ =	shalt  }
0x64: {  	_ =	shalt  }
0x65: {  	_ =	shalt  }
0x66: {  	_ =	shalt  }
0x67: {  	_ =	shalt  }
0x68: {  	_ =	shalt  }
0x69: {  	_ =	shalt  }
0x6a: {  	_ =	shalt  }
0x6b: {  	_ =	shalt  }
0x6c: {  	_ =	shalt  }
0x6d: {  	_ =	shalt  }
0x6e: {  	_ =	shalt  }
0x6f: {  	_ =	shalt  }
0x70: {  	_ =	shalt  }
0x71: {  	_ =	shalt  }
0x72: {  	_ =	shalt  }
0x73: {  	_ =	shalt  }
0x74: {  	_ =	shalt  }
0x75: {  	_ =	shalt  }
0x76: {  	_ =	shalt  }
0x77: {  	_ =	shalt  }
0x78: {  	_ =	shalt  }
0x79: {  	_ =	shalt  }
0x7a: {  	_ =	shalt  }
0x7b: {  	_ =	shalt  }
0x7c: {  	_ =	shalt  }
0x7d: {  	_ =	shalt  }
0x7e: {  	_ =	shalt  }
0x7f: {  	_ =	shalt  }
0x80: {  	_ =	shalt  }
0x81: {  	_ =	shalt  }
0x82: {  	_ =	shalt  }
0x83: {  	_ =	shalt  }
0x84: {  	_ =	shalt  }
0x85: {  	_ =	shalt  }
0x86: {  	_ =	shalt  }
0x87: {  	_ =	shalt  }
.Lfunc_end0:
.L_simem_size_0:
called_computation_lowered:
.L_overlay_start_0:
0x88: {  	s2 =	sld [smem:$0x3FD9]  }
0x89: {  	s3 =	sld [smem:$0x3FFE];
	_ =	sdelay $0x1  }
0x8a: {  	s1 =	srdreg.scid  }
0x8b: {  	s0 =	sand.u32 $0x1, s1  }
0x8c: {  	s17 =	sshll.u32 s0, $0xA;
	s2 =	sadd.s32 s3, s2  }
0x8d: {  	s2 =	sadd.s32 s2, s17  }
0x8e: {  	[smem:$0x3FC3] =	sst s2  }
0x8f: {  	_ = 	snop  }
0x90: {  	s2 =	sld [smem:$0x3FD0];
	(tm) =	ssettm $0x1  }
0x91: {  	s18 =	sld [smem:$0x3FFB];
	_ =	sdelay $0x3  }
0x92: {  	_ =	strace s18  }
0x93: {  	s3 =	sld [smem:$0x3FFC];
	_ =	sdelay $0x3  }
0x94: {  	_ =	strace s3  }
0x95: {  	s3 =	sld [smem:$0x3FFD];
	_ =	sdelay $0x3  }
0x96: {  	_ =	strace s3  }
0x97: {  	_ =	strace $0x8FFFFFFF  }
0x98: {  	s19 =	sld [smem:$0x3FDB];
	_ =	sdelay $0x1  }
0x99: {  	s4 =	simm.s32 $_scs_section_size  }
0x9a: {  	s5 =	simm.s32 $_size__tile_overlayer_lowered;
	s6 =	simm.s32 $_tile_overlayer_lowered  }
0x9b: {  	s22 =	simm.s32 $0x1BFF;
	s21 =	sshll.u32 s6, $0x1;
	s3 =	sadd.s32 s4, s19  }
0x9c: {  	s7 =	simm.s32 $0x0;
	s20 =	sshll.u32 s5, $0x1;
	s5 =	sadd.s32 s21, s3  }
0x9d: {  	[timem:s7], [sflag:s22] =	dma.local [hbm:s5], s20  }
0x9e: {  	_ =	swait.ge [sflag:s22], s20  }
0x9f: {  	s4 =	ssub.s32 $0x0, s20;
	[sflag:s22] =	ssyncset.done $0x0  }
0xa0: {  	[sflag:s22] =	ssyncadd.s32 s4;
	_ =	sdelay $0x1  }
0xa1: {  	s23 =	simm.s32 $0x1B8B  }
0xa2: {  	_ =	swait.ge [sflag:s23], $0x1  }
0xa3: {  	[sflag:s23] =	ssyncset.done $0x0  }
0xa4: {  	s25 =	simm.s32 $0x1B8E;
	s24 =	sld [smem:$0x3FFE];
	[sflag:s23] =	ssyncadd.s32 $0xFFFFFFFF  }
0xa5: {  	s26 =	simm.s32 $execute0_lowered;
	[smem:$0x3FD2] =	sst s25  }
0xa6: {  	s5 =	sshll.u32 s26, $0x1;
	_ =	strace $0x80000046;
	[dreg:$0x1] =	wrdreg $0xFFFFFFFF  }
0xa7: {  	s28 =	simm.s32 $_size_execute0_lowered;
	s3 =	sadd.s32 s3, s5;
	[dreg:$0x0] =	wrdreg $0x0  }
0xa8: {  	s5 =	sshll.u32 s28, $0x1;
	[dreg:$0x2] =	wrdreg s3  }
0xa9: {  	[dreg:$0x3] =	wrdreg s5  }
0xaa: {  	[dreg:$0x4] =	wrdreg $0xC0  }
0xab: {  	_ =	task [dreg:s7], $0x5FFFF  }
0xac: {  	[dreg:$0x1] =	wrdreg $0xFFFFFFFF  }
0xad: {  	[dreg:$0x0] =	wrdreg $0x60  }
0xae: {  	[dreg:$0x2] =	wrdreg s24  }
0xaf: {  	[dreg:$0x3] =	wrdreg s2  }
0xb0: {  	[dreg:$0x4] =	wrdreg $0x9  }
0xb1: {  	_ =	task.clear_ibuf [dreg:s7], $0x5FFFF;
	_ =	strace $0x90000046  }
0xb2: {  	s29 =	simm.s32 $0x9;
	_ =	strace $0x80000048  }
0xb3: {  	_ =	swait.ge [sflag:s29], $0x1  }
0xb4: {  	[sflag:s29] =	ssyncadd.s32 $0xFFFFFFFF  }
0xb5: {  	_ =	strace $0x90000048  }
0xb6: {  	_ =	sfence  }
0xb7: {  	s30 =	sld [smem:$0x0];
	_ =	sdelay $0x2  }
0xb8: {  	s31 =	sshll.u32 s1, $0xD;
	s1 =	sshrl.u32 s1, $0x2  }
0xb9: {  	s3 =	sand.u32 $0x4000, s31;
	s1 =	sadd.s32 s1, s30  }
0xba: {  	s0 =	sor.u32 s3, s0;
	s1 =	sshll.u32 s1, $0x11  }
0xbb: {  	s0 =	sor.u32 s1, s0  }
0xbc: {  	s0 =	sadd.s32 $0x8F2B, s0  }
0xbd: {  	[sflag:s0] =	ssyncadd.remote.s32 $0x1  }
0xbe: {  	_ =	sfence.sel $0xFFFF  }
0xbf: {  	[dreg:$0x0] =	wrdreg $0xFFFFFFFF;
	(pc) =	sbr.abs _section_cstart, $3  }
0xc0: {  	[dreg:$0x1] =	wrdreg $0xFFFFFFFF  }
0xc1: {  	_ =	task.clear_ibuf [dreg:s7], $0x2FFFF;
	_ =	strace $0x9FFFFFFF  }
0xc2: {  	(tm) =	ssettm $0x7FFFFFFF  }
0xc3: {  	_ =	shalt  }
tec
execute0_lowered:
.L_overlay_start_1:
0x0: {  	(tag) =	ssettag $0x1  }
0x1: {  	s0 =	rddreg [dreg:$0x0];
	s1 =	srdreg.scid  }
0x2: {  	s2 =	stileid.u32;
	s7 =	rddreg [dreg:$0x1]  }
0x3: {  	s10 =	simm.s32 $0x3;
	s11 =	simm.s32 $0x80;
	s12 =	simm.s32 $0x400  }
0x4: {  	s14 =	simm.s32 $0x600;
	s15 =	simm.s32 $0xA00;
	s16 =	simm.s32 $0x480  }
0x5: {  	s17 =	simm.s32 $0x880;
	s18 =	simm.s32 $0x680;
	s19 =	simm.s32 $0xA80  }
0x6: {  	s20 =	simm.s32 $0x500;
	s21 =	simm.s32 $0x900;
	s22 =	simm.s32 $0x700  }
0x7: {  	s23 =	simm.s32 $0xB00;
	s24 =	simm.s32 $0x580;
	s25 =	simm.s32 $0x980  }
0x8: {  	s28 =	simm.s32 $0xB80;
	s29 =	simm.s32 $0x1;
	s30 =	simm.s32 $0x2  }
0x9: {  	s31 =	simm.s32 $0xC10;
	s1 =	sand.u32 $0x1, s1;
	s3 =	sshll.u32 s2, $0x1  }
0xa: {  	s2 =	simm.s32 $0x0;
	s4 =	sadd.s32 $0x20800, s0;
	s5 =	sadd.s32 $0x3F200, s0  }
0xb: {  	s6 =	sor.u32 s1, s3;
	[smem:$0x7FF] =	sst s2;
	s1 =	ssub.s32 $0x2, s1  }
0xc: {  	s3 =	sshll.u32 s6, $0x7;
	_ =	strace $0x80000047;
	s26 =	sshrl.u32 s1, $0x1  }
0xd: {  	s9 =	sshll.u32 s6, $0x6;
	s8 =	sadd.s32 s3, s0;
	s3 =	sadd.s32 $0x1E00, s0  }
0xe: {  	v0 =	vlaneseq.u32;
	s0 =	ssub.s32 s1, s26;
	s7 =	sadd.s32 s7, s9;
	s26 =	simm.s32 $0x780  }
0xf: {  	v0 =	vmul.u32 $0x2, v0;
	s1 =	simm.s32 $0x0;
	s6 =	sadd.s32 $0xE00, s8;
	s8 =	smax.u32 s0, $0x1  }
.LBB2_1:
0x10: {  	s0 =	simm.s32 $0xC00  }
0x11: {  	[tilespmem:s0], [sflag:$0x3] =	stream.linear.gather [hbm4b:s5+s2], $0x10, $0x38;
	[tilespmem:$0xE10] =	vst v63  }
0x12: {  	v1 =	vmov s2;
	_ =	swait.ge [sflag:s10], $0x10  }
0x13: {  	v1 =	vshll.u32 v1, $0x1;
	[sflag:s10] =	ssyncset.done $0x0  }
0x14: {  	v1 =	vor.u32 v0, v1;
	[sflag:s10] =	ssyncadd.s32 $0xFFFFFFF0  }
0x15: {  	v2 =	vor.u32 $0x1, v1;
	[tilespmem:s2], [sflag:$0x3] =	stream.linear.gather [hbm4b:s6+s2], $0x400, $0x38;
	[tilespmem:$0xE10] =	vst v63  }
0x16: {  	_ =	swait.ge [sflag:s10], $0x400  }
0x17: {  	[sflag:s10] =	ssyncset.done $0x0  }
0x18: {  	s9 =	simm.s32 $0x10;
	[sflag:s10] =	ssyncadd.s32 $0xFFFFFC00  }
0x19: {  	v3 =	vmov s9;
	v1 =	vld.idx.msk [tilespmem:v1+s2+$0x0], $0xffff  }
0x1a: {  	v3 =	vshll.u32 v3, $0x1;
	v2 =	vld.idx.msk [tilespmem:v2+s2+$0x0], $0xffff  }
0x1b: {  	v3 =	vor.u32 v0, v3  }
0x1c: {  	v4 =	vor.u32 $0x1, v3;
	_ =	sdelay $0x1  }
0x1d: {  	[tilespmem:s12+$0x0] =	vst v1  }
0x1e: {  	[tilespmem:s14+$0x0] =	vst v2  }
0x1f: {  	s13 =	simm.s32 $0x20;
	v1 =	vld.idx.msk [tilespmem:v3+s2+$0x0], $0xffff  }
0x20: {  	s9 =	simm.s32 $0x400;
	s0 =	simm.s32 $0x600;
	v3 =	vmov s13;
	s13 =	simm.s32 $0x30;
	v2 =	vld.idx.msk [tilespmem:v4+s2+$0x0], $0xffff  }
.LBB2_2:
0x21: {  	p0 =	sne.s32 s13, $0x1F0;
	v3 =	vshll.u32 v3, $0x1  }
0x22: {  	v3 =	vor.u32 v0, v3  }
0x23: {  	v4 =	vor.u32 $0x1, v3  }
.Ltmp0:
0x24: {  	s9 =	sadd.s32 $0x10, s9;
	(pc) =	sbr.rel @p0 .LBB2_2-.Ltmp0, $4  }
0x25: {  	s0 =	sadd.s32 $0x10, s0;
	[tilespmem:s9+$0x0] =	vst v1  }
0x26: {  	[tilespmem:s0+$0x0] =	vst v2  }
0x27: {  	v1 =	vld.idx.msk [tilespmem:v3+s2+$0x0], $0xffff  }
0x28: {  	v3 =	vmov s13;
	s13 =	sadd.s32 $0x10, s13;
	v2 =	vld.idx.msk [tilespmem:v4+s2+$0x0], $0xffff  }
0x29: {  	v3 =	vshll.u32 v3, $0x1  }
0x2a: {  	v3 =	vor.u32 v0, v3  }
0x2b: {  	v4 =	vor.u32 $0x1, v3  }
0x2c: {  	s9 =	sadd.s32 $0x10, s9  }
0x2d: {  	s0 =	sadd.s32 $0x10, s0;
	[tilespmem:s9+$0x0] =	vst v1  }
0x2e: {  	[tilespmem:s0+$0x0] =	vst v2  }
0x2f: {  	v1 =	vld.idx.msk [tilespmem:v3+s2+$0x0], $0xffff  }
0x30: {  	v2 =	vld.idx.msk [tilespmem:v4+s2+$0x0], $0xffff;
	_ =	sdelay $0x2  }
0x31: {  	s9 =	sadd.s32 $0x10, s9  }
0x32: {  	s0 =	sadd.s32 $0x10, s0;
	[tilespmem:s9+$0x0] =	vst v1  }
0x33: {  	s13 =	simm.s32 $0x800;
	[tilespmem:s0+$0x0] =	vst v2  }
0x34: {  	[tilespmem:s13], [sflag:$0x1] =	stream.indirect.gather [hbm4b:s3+s11], $0x1, s12, s11, $0xb8;
	[tilespmem:$0xE10] =	vst v63  }
0x35: {  	_ = 	snop  }
0x36: {  	[tilespmem:s15], [sflag:$0x2] =	stream.indirect.gather [hbm4b:s4+s11], $0x1, s14, s11, $0xb8;
	[tilespmem:$0xE10] =	vst v63  }
0x37: {  	_ = 	snop  }
0x38: {  	[tilespmem:s17], [sflag:$0x1] =	stream.indirect.gather [hbm4b:s3+s11], $0x1, s16, s11, $0xb8;
	[tilespmem:$0xE10] =	vst v63  }
0x39: {  	_ = 	snop  }
0x3a: {  	[tilespmem:s19], [sflag:$0x2] =	stream.indirect.gather [hbm4b:s4+s11], $0x1, s18, s11, $0xb8;
	[tilespmem:$0xE10] =	vst v63  }
0x3b: {  	_ = 	snop  }
0x3c: {  	[tilespmem:s21], [sflag:$0x1] =	stream.indirect.gather [hbm4b:s3+s11], $0x1, s20, s11, $0xb8;
	[tilespmem:$0xE10] =	vst v63  }
0x3d: {  	_ = 	snop  }
0x3e: {  	[tilespmem:s23], [sflag:$0x2] =	stream.indirect.gather [hbm4b:s4+s11], $0x1, s22, s11, $0xb8;
	[tilespmem:$0xE10] =	vst v63  }
0x3f: {  	_ = 	snop  }
0x40: {  	[tilespmem:s25], [sflag:$0x1] =	stream.indirect.gather [hbm4b:s3+s11], $0x1, s24, s11, $0xb8;
	[tilespmem:$0xE10] =	vst v63  }
0x41: {  	_ = 	snop  }
0x42: {  	[tilespmem:s28], [sflag:$0x2] =	stream.indirect.gather [hbm4b:s4+s11], $0x1, s26, s11, $0xb8;
	[tilespmem:$0xE10] =	vst v63  }
0x43: {  	_ =	swait.ge [sflag:s29], $0x80  }
0x44: {  	[sflag:s29] =	ssyncset.done $0x0  }
0x45: {  	[sflag:s29] =	ssyncadd.s32 $0xFFFFFF80  }
0x46: {  	_ =	swait.ge [sflag:s30], $0x80  }
0x47: {  	[sflag:s30] =	ssyncset.done $0x0  }
0x48: {  	[sflag:s30] =	ssyncadd.s32 $0xFFFFFF80  }
0x49: {  	_ =	swait.ge [sflag:s29], $0x80  }
0x4a: {  	[sflag:s29] =	ssyncset.done $0x0  }
0x4b: {  	[sflag:s29] =	ssyncadd.s32 $0xFFFFFF80  }
0x4c: {  	_ =	swait.ge [sflag:s30], $0x80  }
0x4d: {  	[sflag:s30] =	ssyncset.done $0x0  }
0x4e: {  	[sflag:s30] =	ssyncadd.s32 $0xFFFFFF80  }
0x4f: {  	_ =	swait.ge [sflag:s29], $0x80  }
0x50: {  	[sflag:s29] =	ssyncset.done $0x0  }
0x51: {  	[sflag:s29] =	ssyncadd.s32 $0xFFFFFF80  }
0x52: {  	_ =	swait.ge [sflag:s30], $0x80  }
0x53: {  	[sflag:s30] =	ssyncset.done $0x0  }
0x54: {  	[sflag:s30] =	ssyncadd.s32 $0xFFFFFF80  }
0x55: {  	_ =	swait.ge [sflag:s29], $0x80  }
0x56: {  	[sflag:s29] =	ssyncset.done $0x0  }
0x57: {  	[sflag:s29] =	ssyncadd.s32 $0xFFFFFF80  }
0x58: {  	_ =	swait.ge [sflag:s30], $0x80  }
0x59: {  	[sflag:s30] =	ssyncset.done $0x0  }
0x5a: {  	[sflag:s30] =	ssyncadd.s32 $0xFFFFFF80  }
0x5b: {  	v2 =	vld [tilespmem:$0x800]  }
0x5c: {  	v3 =	vld [tilespmem:$0xA00];
	_ =	sdelay $0x1  }
0x5d: {  	v1 =	vld [tilespmem:$0xC00];
	_ =	sdelay $0x2  }
0x5e: {  	v2 =	vadd.f32 v3, v2;
	_ =	sdelay $0x1  }
0x5f: {  	v2 =	vadd.f32 v2, v1;
	_ =	sdelay $0x1  }
0x60: {  	v2 =	vsub.f32 $0.0e+00, v2;
	_ =	sdelay $0x1  }
0x61: {  	v2 =	vmul.f32 $1.442695020e+00, v2  }
0x62: {  	v3 =	vld [tilespmem:$0x810]  }
0x63: {  	(erf) = vpow2.f32 v2;
	v2 =	vld [tilespmem:$0xA10];
	_ =	sdelay $0x4  }
0x64: {  	v2 =	vadd.f32 v2, v3;
	_ =	sdelay $0x1  }
0x65: {  	v2 =	vadd.f32 v2, v1;
	_ =	sdelay $0x1  }
0x66: {  	v3 =	vpop (erf);
	v2 =	vsub.f32 $0.0e+00, v2  }
0x67: {  	v3 =	vadd.f32 $1.000000000e+00, v3  }
0x68: {  	v2 =	vmul.f32 $1.442695020e+00, v2  }
0x69: {  	(erf) = vrcp.f32 v3;
	v3 =	vld [tilespmem:$0x820]  }
0x6a: {  	(erf) = vpow2.f32 v2;
	v2 =	vld [tilespmem:$0xA20];
	_ =	sdelay $0x4  }
0x6b: {  	v2 =	vadd.f32 v2, v3;
	_ =	sdelay $0x2  }
0x6c: {  	v3 =	vadd.f32 v2, v1  }
0x6d: {  	v2 =	vpop (erf)  }
0x6e: {  	v3 =	vsub.f32 $0.0e+00, v3;
	v45 =	vpop (erf)  }
0x6f: {  	v4 =	vadd.f32 $1.000000000e+00, v45  }
0x70: {  	v3 =	vmul.f32 $1.442695020e+00, v3  }
0x71: {  	v46 =	vld [tilespmem:$0x830];
	(erf) = vrcp.f32 v4  }
0x72: {  	(erf) = vpow2.f32 v3;
	v3 =	vld [tilespmem:$0xA30];
	_ =	sdelay $0x4  }
0x73: {  	v3 =	vadd.f32 v3, v46;
	_ =	sdelay $0x2  }
0x74: {  	v4 =	vadd.f32 v3, v1  }
0x75: {  	v3 =	vpop (erf)  }
0x76: {  	v4 =	vsub.f32 $0.0e+00, v4;
	v5 =	vpop (erf)  }
0x77: {  	v5 =	vadd.f32 $1.000000000e+00, v5  }
0x78: {  	v47 =	vld [tilespmem:$0x840];
	v4 =	vmul.f32 $1.442695020e+00, v4  }
0x79: {  	v48 =	vld [tilespmem:$0xA40];
	(erf) = vrcp.f32 v5  }
0x7a: {  	(erf) = vpow2.f32 v4;
	_ =	sdelay $0x3  }
0x7b: {  	v4 =	vadd.f32 v48, v47;
	_ =	sdelay $0x2  }
0x7c: {  	v5 =	vadd.f32 v4, v1  }
0x7d: {  	v4 =	vpop (erf)  }
0x7e: {  	v5 =	vsub.f32 $0.0e+00, v5;
	v6 =	vpop (erf)  }
0x7f: {  	v6 =	vadd.f32 $1.000000000e+00, v6  }
0x80: {  	v49 =	vld [tilespmem:$0x850];
	v5 =	vmul.f32 $1.442695020e+00, v5  }
0x81: {  	v50 =	vld [tilespmem:$0xA50];
	(erf) = vrcp.f32 v6  }
0x82: {  	(erf) = vpow2.f32 v5;
	_ =	sdelay $0x3  }
0x83: {  	v5 =	vadd.f32 v50, v49;
	_ =	sdelay $0x2  }
0x84: {  	v6 =	vadd.f32 v5, v1  }
0x85: {  	v5 =	vpop (erf)  }
0x86: {  	v6 =	vsub.f32 $0.0e+00, v6;
	v7 =	vpop (erf)  }
0x87: {  	v7 =	vadd.f32 $1.000000000e+00, v7  }
0x88: {  	v51 =	vld [tilespmem:$0x860];
	v6 =	vmul.f32 $1.442695020e+00, v6  }
0x89: {  	v52 =	vld [tilespmem:$0xA60];
	(erf) = vrcp.f32 v7  }
0x8a: {  	(erf) = vpow2.f32 v6;
	_ =	sdelay $0x3  }
0x8b: {  	v6 =	vadd.f32 v52, v51;
	_ =	sdelay $0x2  }
0x8c: {  	v7 =	vadd.f32 v6, v1  }
0x8d: {  	v6 =	vpop (erf)  }
0x8e: {  	v7 =	vsub.f32 $0.0e+00, v7;
	v8 =	vpop (erf)  }
0x8f: {  	v8 =	vadd.f32 $1.000000000e+00, v8  }
0x90: {  	v53 =	vld [tilespmem:$0x870];
	v7 =	vmul.f32 $1.442695020e+00, v7  }
0x91: {  	v54 =	vld [tilespmem:$0xA70];
	(erf) = vrcp.f32 v8  }
0x92: {  	(erf) = vpow2.f32 v7;
	_ =	sdelay $0x3  }
0x93: {  	v7 =	vadd.f32 v54, v53;
	_ =	sdelay $0x2  }
0x94: {  	v8 =	vadd.f32 v7, v1  }
0x95: {  	v7 =	vpop (erf)  }
0x96: {  	v8 =	vsub.f32 $0.0e+00, v8;
	v9 =	vpop (erf)  }
0x97: {  	v9 =	vadd.f32 $1.000000000e+00, v9  }
0x98: {  	v55 =	vld [tilespmem:$0x880];
	v8 =	vmul.f32 $1.442695020e+00, v8  }
0x99: {  	v56 =	vld [tilespmem:$0xA80];
	(erf) = vrcp.f32 v9  }
0x9a: {  	(erf) = vpow2.f32 v8;
	_ =	sdelay $0x3  }
0x9b: {  	v8 =	vadd.f32 v56, v55;
	_ =	sdelay $0x2  }
0x9c: {  	v9 =	vadd.f32 v8, v1  }
0x9d: {  	v8 =	vpop (erf)  }
0x9e: {  	v9 =	vsub.f32 $0.0e+00, v9;
	v10 =	vpop (erf)  }
0x9f: {  	v10 =	vadd.f32 $1.000000000e+00, v10  }
0xa0: {  	v57 =	vld [tilespmem:$0x890];
	v9 =	vmul.f32 $1.442695020e+00, v9  }
0xa1: {  	v58 =	vld [tilespmem:$0xA90];
	(erf) = vrcp.f32 v10  }
0xa2: {  	(erf) = vpow2.f32 v9;
	_ =	sdelay $0x3  }
0xa3: {  	v9 =	vadd.f32 v58, v57;
	_ =	sdelay $0x2  }
0xa4: {  	v10 =	vadd.f32 v9, v1  }
0xa5: {  	v9 =	vpop (erf)  }
0xa6: {  	v10 =	vsub.f32 $0.0e+00, v10;
	v11 =	vpop (erf)  }
0xa7: {  	v11 =	vadd.f32 $1.000000000e+00, v11  }
0xa8: {  	v59 =	vld [tilespmem:$0x8A0];
	v10 =	vmul.f32 $1.442695020e+00, v10  }
0xa9: {  	v60 =	vld [tilespmem:$0xAA0];
	(erf) = vrcp.f32 v11  }
0xaa: {  	(erf) = vpow2.f32 v10;
	_ =	sdelay $0x3  }
0xab: {  	v10 =	vadd.f32 v60, v59;
	_ =	sdelay $0x2  }
0xac: {  	v11 =	vadd.f32 v10, v1  }
0xad: {  	v10 =	vpop (erf)  }
0xae: {  	v11 =	vsub.f32 $0.0e+00, v11;
	v12 =	vpop (erf)  }
0xaf: {  	v12 =	vadd.f32 $1.000000000e+00, v12  }
0xb0: {  	v61 =	vld [tilespmem:$0x8B0];
	v11 =	vmul.f32 $1.442695020e+00, v11  }
0xb1: {  	v62 =	vld [tilespmem:$0xAB0];
	(erf) = vrcp.f32 v12  }
0xb2: {  	(erf) = vpow2.f32 v11;
	_ =	sdelay $0x3  }
0xb3: {  	v11 =	vadd.f32 v62, v61;
	_ =	sdelay $0x2  }
0xb4: {  	v12 =	vadd.f32 v11, v1  }
0xb5: {  	v11 =	vpop (erf)  }
0xb6: {  	v12 =	vsub.f32 $0.0e+00, v12;
	v13 =	vpop (erf)  }
0xb7: {  	v13 =	vadd.f32 $1.000000000e+00, v13  }
0xb8: {  	v63 =	vld [tilespmem:$0x8C0];
	v12 =	vmul.f32 $1.442695020e+00, v12  }
0xb9: {  	v16 =	vld [tilespmem:$0xAC0];
	(erf) = vrcp.f32 v13  }
0xba: {  	(erf) = vpow2.f32 v12;
	_ =	sdelay $0x3  }
0xbb: {  	v12 =	vadd.f32 v16, v63;
	_ =	sdelay $0x2  }
0xbc: {  	v13 =	vadd.f32 v12, v1  }
0xbd: {  	v12 =	vpop (erf)  }
0xbe: {  	v13 =	vsub.f32 $0.0e+00, v13;
	v14 =	vpop (erf)  }
0xbf: {  	v14 =	vadd.f32 $1.000000000e+00, v14  }
0xc0: {  	v17 =	vld [tilespmem:$0x8D0];
	v13 =	vmul.f32 $1.442695020e+00, v13  }
0xc1: {  	v18 =	vld [tilespmem:$0xAD0];
	(erf) = vrcp.f32 v14  }
0xc2: {  	(erf) = vpow2.f32 v13;
	_ =	sdelay $0x3  }
0xc3: {  	v13 =	vadd.f32 v18, v17;
	_ =	sdelay $0x2  }
0xc4: {  	v14 =	vadd.f32 v13, v1  }
0xc5: {  	v13 =	vpop (erf)  }
0xc6: {  	v14 =	vsub.f32 $0.0e+00, v14;
	v15 =	vpop (erf)  }
0xc7: {  	v15 =	vadd.f32 $1.000000000e+00, v15  }
0xc8: {  	v19 =	vld [tilespmem:$0x8E0];
	v14 =	vmul.f32 $1.442695020e+00, v14  }
0xc9: {  	v20 =	vld [tilespmem:$0xAE0];
	(erf) = vrcp.f32 v15  }
0xca: {  	(erf) = vpow2.f32 v14;
	_ =	sdelay $0x3  }
0xcb: {  	v14 =	vadd.f32 v20, v19;
	_ =	sdelay $0x2  }
0xcc: {  	v15 =	vadd.f32 v14, v1  }
0xcd: {  	v14 =	vpop (erf)  }
0xce: {  	v15 =	vsub.f32 $0.0e+00, v15;
	v16 =	vpop (erf)  }
0xcf: {  	v16 =	vadd.f32 $1.000000000e+00, v16  }
0xd0: {  	v21 =	vld [tilespmem:$0x8F0];
	v15 =	vmul.f32 $1.442695020e+00, v15  }
0xd1: {  	v22 =	vld [tilespmem:$0xAF0];
	(erf) = vrcp.f32 v16  }
0xd2: {  	(erf) = vpow2.f32 v15;
	_ =	sdelay $0x3  }
0xd3: {  	v15 =	vadd.f32 v22, v21;
	_ =	sdelay $0x2  }
0xd4: {  	v16 =	vadd.f32 v15, v1  }
0xd5: {  	v15 =	vpop (erf)  }
0xd6: {  	v16 =	vsub.f32 $0.0e+00, v16;
	v17 =	vpop (erf)  }
0xd7: {  	v17 =	vadd.f32 $1.000000000e+00, v17  }
0xd8: {  	v23 =	vld [tilespmem:$0x900];
	v16 =	vmul.f32 $1.442695020e+00, v16  }
0xd9: {  	v24 =	vld [tilespmem:$0xB00];
	(erf) = vrcp.f32 v17  }
0xda: {  	(erf) = vpow2.f32 v16;
	_ =	sdelay $0x3  }
0xdb: {  	v16 =	vadd.f32 v24, v23;
	_ =	sdelay $0x2  }
0xdc: {  	v17 =	vadd.f32 v16, v1  }
0xdd: {  	v16 =	vpop (erf)  }
0xde: {  	v17 =	vsub.f32 $0.0e+00, v17;
	v18 =	vpop (erf)  }
0xdf: {  	v18 =	vadd.f32 $1.000000000e+00, v18  }
0xe0: {  	v25 =	vld [tilespmem:$0x910];
	v17 =	vmul.f32 $1.442695020e+00, v17  }
0xe1: {  	v26 =	vld [tilespmem:$0xB10];
	(erf) = vrcp.f32 v18  }
0xe2: {  	(erf) = vpow2.f32 v17;
	_ =	sdelay $0x3  }
0xe3: {  	v17 =	vadd.f32 v26, v25;
	_ =	sdelay $0x2  }
0xe4: {  	v18 =	vadd.f32 v17, v1  }
0xe5: {  	v17 =	vpop (erf)  }
0xe6: {  	v18 =	vsub.f32 $0.0e+00, v18;
	v19 =	vpop (erf)  }
0xe7: {  	v19 =	vadd.f32 $1.000000000e+00, v19  }
0xe8: {  	v27 =	vld [tilespmem:$0x920];
	v18 =	vmul.f32 $1.442695020e+00, v18  }
0xe9: {  	v28 =	vld [tilespmem:$0xB20];
	(erf) = vrcp.f32 v19  }
0xea: {  	(erf) = vpow2.f32 v18;
	_ =	sdelay $0x3  }
0xeb: {  	v18 =	vadd.f32 v28, v27;
	_ =	sdelay $0x2  }
0xec: {  	v19 =	vadd.f32 v18, v1  }
0xed: {  	v18 =	vpop (erf)  }
0xee: {  	v19 =	vsub.f32 $0.0e+00, v19;
	v20 =	vpop (erf)  }
0xef: {  	v20 =	vadd.f32 $1.000000000e+00, v20  }
0xf0: {  	v29 =	vld [tilespmem:$0x930];
	v19 =	vmul.f32 $1.442695020e+00, v19  }
0xf1: {  	v30 =	vld [tilespmem:$0xB30];
	(erf) = vrcp.f32 v20  }
0xf2: {  	(erf) = vpow2.f32 v19;
	_ =	sdelay $0x3  }
0xf3: {  	v19 =	vadd.f32 v30, v29;
	_ =	sdelay $0x2  }
0xf4: {  	v20 =	vadd.f32 v19, v1  }
0xf5: {  	v19 =	vpop (erf)  }
0xf6: {  	v20 =	vsub.f32 $0.0e+00, v20;
	v21 =	vpop (erf)  }
0xf7: {  	v21 =	vadd.f32 $1.000000000e+00, v21  }
0xf8: {  	v31 =	vld [tilespmem:$0x940];
	v20 =	vmul.f32 $1.442695020e+00, v20  }
0xf9: {  	v32 =	vld [tilespmem:$0xB40];
	(erf) = vrcp.f32 v21  }
0xfa: {  	(erf) = vpow2.f32 v20;
	_ =	sdelay $0x3  }
0xfb: {  	v20 =	vadd.f32 v32, v31;
	_ =	sdelay $0x2  }
0xfc: {  	v21 =	vadd.f32 v20, v1  }
0xfd: {  	v20 =	vpop (erf)  }
0xfe: {  	v21 =	vsub.f32 $0.0e+00, v21;
	v22 =	vpop (erf)  }
0xff: {  	v22 =	vadd.f32 $1.000000000e+00, v22  }
0x100: {  	v33 =	vld [tilespmem:$0x950];
	v21 =	vmul.f32 $1.442695020e+00, v21  }
0x101: {  	v34 =	vld [tilespmem:$0xB50];
	(erf) = vrcp.f32 v22  }
0x102: {  	(erf) = vpow2.f32 v21;
	_ =	sdelay $0x3  }
0x103: {  	v21 =	vadd.f32 v34, v33;
	_ =	sdelay $0x2  }
0x104: {  	v22 =	vadd.f32 v21, v1  }
0x105: {  	v21 =	vpop (erf)  }
0x106: {  	v22 =	vsub.f32 $0.0e+00, v22;
	v23 =	vpop (erf)  }
0x107: {  	v23 =	vadd.f32 $1.000000000e+00, v23  }
0x108: {  	v22 =	vmul.f32 $1.442695020e+00, v22  }
0x109: {  	v35 =	vld [tilespmem:$0x960];
	(erf) = vrcp.f32 v23  }
0x10a: {  	v36 =	vld [tilespmem:$0xB60];
	(erf) = vpow2.f32 v22;
	_ =	sdelay $0x4  }
0x10b: {  	v22 =	vadd.f32 v36, v35;
	_ =	sdelay $0x1  }
0x10c: {  	v23 =	vadd.f32 v22, v1  }
0x10d: {  	v37 =	vpop (erf)  }
0x10e: {  	v23 =	vsub.f32 $0.0e+00, v23;
	v24 =	vpop (erf)  }
0x10f: {  	v24 =	vadd.f32 $1.000000000e+00, v24  }
0x110: {  	v23 =	vmul.f32 $1.442695020e+00, v23  }
0x111: {  	v38 =	vld [tilespmem:$0x970];
	(erf) = vrcp.f32 v24  }
0x112: {  	v39 =	vld [tilespmem:$0xB70];
	(erf) = vpow2.f32 v23;
	_ =	sdelay $0x4  }
0x113: {  	v23 =	vadd.f32 v39, v38;
	_ =	sdelay $0x1  }
0x114: {  	v23 =	vadd.f32 v23, v1  }
0x115: {  	v40 =	vpop (erf)  }
0x116: {  	v23 =	vsub.f32 $0.0e+00, v23;
	v25 =	vpop (erf)  }
0x117: {  	v25 =	vadd.f32 $1.000000000e+00, v25  }
0x118: {  	v23 =	vmul.f32 $1.442695020e+00, v23  }
0x119: {  	v41 =	vld [tilespmem:$0x980];
	(erf) = vrcp.f32 v25  }
0x11a: {  	v42 =	vld [tilespmem:$0xB80];
	(erf) = vpow2.f32 v23;
	_ =	sdelay $0x4  }
0x11b: {  	v23 =	vadd.f32 v42, v41;
	_ =	sdelay $0x1  }
0x11c: {  	v23 =	vadd.f32 v23, v1  }
0x11d: {  	v43 =	vpop (erf)  }
0x11e: {  	v23 =	vsub.f32 $0.0e+00, v23;
	v26 =	vpop (erf)  }
0x11f: {  	v26 =	vadd.f32 $1.000000000e+00, v26  }
0x120: {  	v23 =	vmul.f32 $1.442695020e+00, v23  }
0x121: {  	v44 =	vld [tilespmem:$0x990];
	(erf) = vrcp.f32 v26  }
0x122: {  	v45 =	vld [tilespmem:$0xB90];
	(erf) = vpow2.f32 v23;
	_ =	sdelay $0x4  }
0x123: {  	v23 =	vadd.f32 v45, v44;
	_ =	sdelay $0x1  }
0x124: {  	v23 =	vadd.f32 v23, v1  }
0x125: {  	v46 =	vpop (erf)  }
0x126: {  	v23 =	vsub.f32 $0.0e+00, v23;
	v27 =	vpop (erf)  }
0x127: {  	v27 =	vadd.f32 $1.000000000e+00, v27  }
0x128: {  	v23 =	vmul.f32 $1.442695020e+00, v23  }
0x129: {  	v47 =	vld [tilespmem:$0x9A0];
	(erf) = vrcp.f32 v27  }
0x12a: {  	v48 =	vld [tilespmem:$0xBA0];
	(erf) = vpow2.f32 v23;
	_ =	sdelay $0x4  }
0x12b: {  	v23 =	vadd.f32 v48, v47;
	_ =	sdelay $0x1  }
0x12c: {  	v23 =	vadd.f32 v23, v1  }
0x12d: {  	v49 =	vpop (erf)  }
0x12e: {  	v23 =	vsub.f32 $0.0e+00, v23;
	v28 =	vpop (erf)  }
0x12f: {  	v28 =	vadd.f32 $1.000000000e+00, v28  }
0x130: {  	v23 =	vmul.f32 $1.442695020e+00, v23  }
0x131: {  	v50 =	vld [tilespmem:$0x9B0];
	(erf) = vrcp.f32 v28  }
0x132: {  	v51 =	vld [tilespmem:$0xBB0];
	(erf) = vpow2.f32 v23;
	_ =	sdelay $0x4  }
0x133: {  	v23 =	vadd.f32 v51, v50;
	_ =	sdelay $0x1  }
0x134: {  	v23 =	vadd.f32 v23, v1  }
0x135: {  	v52 =	vpop (erf)  }
0x136: {  	v23 =	vsub.f32 $0.0e+00, v23;
	v29 =	vpop (erf)  }
0x137: {  	v29 =	vadd.f32 $1.000000000e+00, v29  }
0x138: {  	v23 =	vmul.f32 $1.442695020e+00, v23  }
0x139: {  	v53 =	vld [tilespmem:$0x9C0];
	(erf) = vrcp.f32 v29  }
0x13a: {  	v54 =	vld [tilespmem:$0xBC0];
	(erf) = vpow2.f32 v23;
	_ =	sdelay $0x4  }
0x13b: {  	v23 =	vadd.f32 v54, v53;
	_ =	sdelay $0x1  }
0x13c: {  	v23 =	vadd.f32 v23, v1  }
0x13d: {  	v55 =	vpop (erf)  }
0x13e: {  	v23 =	vsub.f32 $0.0e+00, v23;
	v30 =	vpop (erf)  }
0x13f: {  	v30 =	vadd.f32 $1.000000000e+00, v30  }
0x140: {  	v23 =	vmul.f32 $1.442695020e+00, v23  }
0x141: {  	v56 =	vld [tilespmem:$0x9D0];
	(erf) = vrcp.f32 v30  }
0x142: {  	v57 =	vld [tilespmem:$0xBD0];
	(erf) = vpow2.f32 v23;
	_ =	sdelay $0x4  }
0x143: {  	v23 =	vadd.f32 v57, v56;
	_ =	sdelay $0x1  }
0x144: {  	v23 =	vadd.f32 v23, v1  }
0x145: {  	v58 =	vpop (erf)  }
0x146: {  	v23 =	vsub.f32 $0.0e+00, v23;
	v31 =	vpop (erf)  }
0x147: {  	v31 =	vadd.f32 $1.000000000e+00, v31  }
0x148: {  	v23 =	vmul.f32 $1.442695020e+00, v23  }
0x149: {  	v59 =	vld [tilespmem:$0x9E0];
	(erf) = vrcp.f32 v31  }
0x14a: {  	v60 =	vld [tilespmem:$0xBE0];
	(erf) = vpow2.f32 v23;
	_ =	sdelay $0x4  }
0x14b: {  	v23 =	vadd.f32 v60, v59;
	_ =	sdelay $0x1  }
0x14c: {  	v23 =	vadd.f32 v23, v1  }
0x14d: {  	v61 =	vpop (erf)  }
0x14e: {  	v23 =	vsub.f32 $0.0e+00, v23;
	v32 =	vpop (erf)  }
0x14f: {  	v32 =	vadd.f32 $1.000000000e+00, v32  }
0x150: {  	v62 =	vld [tilespmem:$0x9F0];
	v23 =	vmul.f32 $1.442695020e+00, v23  }
0x151: {  	v63 =	vld [tilespmem:$0xBF0];
	(erf) = vrcp.f32 v32  }
0x152: {  	(erf) = vpow2.f32 v23;
	_ =	sdelay $0x3  }
0x153: {  	[tilespmem:$0xC10] =	vst v2;
	v2 =	vadd.f32 v63, v62  }
0x154: {  	[tilespmem:$0xC20] =	vst v3  }
0x155: {  	[tilespmem:$0xC30] =	vst v4  }
0x156: {  	[tilespmem:$0xC40] =	vst v5;
	v1 =	vadd.f32 v2, v1  }
0x157: {  	[tilespmem:$0xC50] =	vst v6;
	v2 =	vpop (erf)  }
0x158: {  	[tilespmem:$0xC60] =	vst v7;
	v1 =	vsub.f32 $0.0e+00, v1;
	v3 =	vpop (erf)  }
0x159: {  	[tilespmem:$0xC70] =	vst v8;
	v3 =	vadd.f32 $1.000000000e+00, v3  }
0x15a: {  	[tilespmem:$0xC80] =	vst v9;
	v1 =	vmul.f32 $1.442695020e+00, v1  }
0x15b: {  	[tilespmem:$0xC90] =	vst v10;
	(erf) = vrcp.f32 v3  }
0x15c: {  	[tilespmem:$0xCA0] =	vst v11;
	(erf) = vpow2.f32 v1  }
0x15d: {  	[tilespmem:$0xCB0] =	vst v12  }
0x15e: {  	[tilespmem:$0xCC0] =	vst v13  }
0x15f: {  	[tilespmem:$0xCD0] =	vst v14  }
0x160: {  	[tilespmem:$0xCE0] =	vst v15  }
0x161: {  	[tilespmem:$0xCF0] =	vst v16  }
0x162: {  	[tilespmem:$0xD00] =	vst v17  }
0x163: {  	[tilespmem:$0xD10] =	vst v18  }
0x164: {  	[tilespmem:$0xD20] =	vst v19;
	v1 =	vpop (erf)  }
0x165: {  	[tilespmem:$0xD30] =	vst v20;
	v3 =	vpop (erf)  }
0x166: {  	[tilespmem:$0xD40] =	vst v21;
	v3 =	vadd.f32 $1.000000000e+00, v3  }
0x167: {  	[tilespmem:$0xD50] =	vst v37  }
0x168: {  	[tilespmem:$0xD60] =	vst v40;
	(erf) = vrcp.f32 v3  }
0x169: {  	[tilespmem:$0xD70] =	vst v43  }
0x16a: {  	[tilespmem:$0xD80] =	vst v46  }
0x16b: {  	[tilespmem:$0xD90] =	vst v49  }
0x16c: {  	[tilespmem:$0xDA0] =	vst v52  }
0x16d: {  	[tilespmem:$0xDB0] =	vst v55  }
0x16e: {  	[tilespmem:$0xDC0] =	vst v58  }
0x16f: {  	[tilespmem:$0xDD0] =	vst v61  }
0x170: {  	s1 =	sadd.s32 $0x1, s1;
	[tilespmem:$0xDE0] =	vst v2  }
0x171: {  	p0 =	sne.s32 s1, s8;
	[tilespmem:$0xDF0] =	vst v1;
	v1 =	vpop (erf)  }
.Ltmp1:
0x172: {  	[tilespmem:$0xE00] =	vst v1;
	(pc) =	sbr.rel @p0 .LBB2_1-.Ltmp1, $4  }
0x173: {  	[hbm4b:s7+s2] =	stream.linear.scatter [tilespmem:s31], [sflag:$0x3], $0x200, $0x38;
	[tilespmem:$0xE10] =	vst v63  }
0x174: {  	_ =	swait.ge [sflag:s10], $0x200  }
0x175: {  	[sflag:s10] =	ssyncset.done $0x0  }
0x176: {  	[sflag:s10] =	ssyncadd.s32 $0xFFFFFE00  }
0x177: {  	_ =	sfence.sel $0x180000  }
0x178: {  	[bflag:$0x0] =	sbarrier.arrive $0xFFFF  }
0x179: {  	_ =	strace $0x90000047  }
0x17a: {  	s0 =	stileid.u32;
	[bflag:$0x2] =	sbarrier.arrive $0xFFFF  }
0x17b: {  	p0 =	sne.s32 s0, $0x0;
	s0 =	rddreg [dreg:$0x2]  }
0x17c: {  	s0 =	sadd.s32 @!p0 $0x100000, s0  }
0x17d: {  	[sflag:s0] =	ssyncadd.tile.s32 @!p0 $0x1;
	_ =	shalt  }
.Lfunc_end2:
_tile_overlayer_lowered:
.L_overlay_start_2:
0x17e: {  	(tag) =	ssettag $0x2  }
0x17f: {  	s0 =	rddreg [dreg:$0x0];
	s2 =	stileid.u32  }
0x180: {  	s1 =	rddreg [dreg:$0x1];
	p0 =	sne.s32 s2, $0x0  }
0x181: {  	s3 =	rddreg [dreg:$0x2];
	[bflag:$0x3] =	sbarrier.arrive $0xFFFF;
	s2 =	simm.s32 @!p0 $0x1C03  }
0x182: {  	[timem:s3], [sflag:s2] =	dma.local @!p0 [hbm:s0], s1  }
0x183: {  	s0 =	simm.s32 @!p0 $0x3  }
0x184: {  	_ =	swait.ge @!p0 [sflag:s0], s1  }
0x185: {  	s1 =	ssub.s32 @!p0 $0x0, s1;
	[sflag:s0] =	ssyncset.done @!p0 $0x0  }
0x186: {  	[sflag:s0] =	ssyncadd.s32 @!p0 s1  }
0x187: {  	[bflag:$0x3] =	sbarrier.arrive $0xFFFF  }
0x188: {  	_ =	shalt  }

</sc_bundles>
